<compile_context>
chip_gen: v7x
topology: tpu7x:2x2x1
jax: 0.10.2.dev20260603
libtpu: 0.0.44.dev20260713+nightly
codegen_flags: <defaults>
</compile_context>

<pallas_src>
import functools

import jax
import jax.numpy as jnp
from jax import lax
from jax.experimental import pallas as pl
from jax.experimental.pallas import tpu as pltpu
from jax.experimental.pallas import tpu_sc as plsc

N = 10000
E = 320000
D = 128
SIGMA = 0.1

NC = 2
NS = 16
NW = NC * NS
CHUNK = 96
NRING = 3
IRING = 3
UNROLL = 3
K_C0 = 120
K_C1 = 90
TCH = NS * (K_C0 + K_C1)
EPAD = TCH * CHUNK
NPAD = 10240
ROWS_PER_TILE = NPAD // NS


def _normalize_body(x_ref, o_ref):
    x = x_ref[...]
    s = jnp.sum(x * x, axis=1, keepdims=True)
    xn = x * lax.rsqrt(jnp.maximum(s, 1e-24))
    o_ref[0] = xn
    o_ref[1] = xn


def _normalize(x):
    return pl.pallas_call(
        _normalize_body,
        grid=(-(-N // _FIN_BLK),),
        in_specs=[pl.BlockSpec((_FIN_BLK, D), lambda i: (i, 0))],
        out_specs=pl.BlockSpec((2, _FIN_BLK, D), lambda i: (0, i, 0)),
        out_shape=jax.ShapeDtypeStruct((2, N, D), jnp.float32),
    )(x)


_CORE0_COLS = NS * K_C0 * CHUNK


def _idxprep_body(e_ref, o_ref):
    col = lax.broadcasted_iota(jnp.int32, (1, E), 1)
    o_ref[0:1, :E] = e_ref[0:1, :] + jnp.where(col < _CORE0_COLS, 0, N)
    o_ref[1:2, :E] = e_ref[1:2, :]
    o_ref[0:1, E:] = jnp.full((1, EPAD - E), N, jnp.int32)
    o_ref[1:2, E:] = jnp.full((1, EPAD - E), N, jnp.int32)


def _idxprep(edge_index):
    return pl.pallas_call(
        _idxprep_body,
        in_specs=[pl.BlockSpec((2, E), lambda: (0, 0))],
        out_specs=pl.BlockSpec((2, EPAD), lambda: (0, 0)),
        out_shape=jax.ShapeDtypeStruct((2, EPAD), jnp.int32),
    )(edge_index)


_sc_mesh = plsc.VectorSubcoreMesh(core_axis_name="c", subcore_axis_name="s")


@functools.partial(
    pl.kernel,
    out_type=(
        jax.ShapeDtypeStruct((NC, NPAD, D), jnp.float32),
        jax.ShapeDtypeStruct((NW, NPAD), jnp.float32),
    ),
    mesh=_sc_mesh,
    scratch_types=[
        [pltpu.VMEM((2, CHUNK), jnp.int32)] * IRING,
        [pltpu.VMEM((CHUNK, D), jnp.float32)] * NRING,
        pltpu.VMEM((NPAD,), jnp.float32),
        pltpu.VMEM_SHARED((NPAD, D), jnp.float32),
        [pltpu.SemaphoreType.DMA] * IRING,
        [pltpu.SemaphoreType.DMA] * NRING,
    ],
    compiler_params=pltpu.CompilerParams(needs_layout_passes=False),
)
def _sc_scatter(xn_hbm, idx_hbm, zrow_hbm, zdeg_hbm,
                agg_out, deg_out, ib, rows, deg_v, agg_sh, isems, gsems):
    c = lax.axis_index("c")
    s = lax.axis_index("s")
    g = c * NS + s
    start = jnp.where(c == 0, s * K_C0, NS * K_C0 + s * K_C1)
    count = jnp.where(c == 0, K_C0, K_C1)

    pltpu.sync_copy(zrow_hbm, agg_sh.at[pl.ds(s * ROWS_PER_TILE, ROWS_PER_TILE)])
    pltpu.sync_copy(zdeg_hbm, deg_v)
    plsc.subcore_barrier()

    ones = jnp.full((16,), 1.0, dtype=jnp.float32)

    def idx_fetch(j, a):
        pltpu.async_copy(idx_hbm.at[0, start + j], ib[a].at[0], isems[a])
        pltpu.async_copy(idx_hbm.at[1, start + j], ib[a].at[1], isems[a])

    def idx_wait(j, a):
        pltpu.make_async_copy(idx_hbm.at[0, start + j], ib[a].at[0], isems[a]).wait()
        pltpu.make_async_copy(idx_hbm.at[1, start + j], ib[a].at[1], isems[a]).wait()

    def row_gather(a, b):
        pltpu.async_copy(xn_hbm.at[ib[a].at[0]], rows[b], gsems[b])

    def row_wait(a, b):
        pltpu.make_async_copy(xn_hbm.at[ib[a].at[0]], rows[b], gsems[b]).wait()

    for a in range(IRING):
        idx_fetch(a, a)
    for a in range(2):
        idx_wait(a, a)
        row_gather(a, a)

    def body(jg, carry):
        for u in range(UNROLL):
            j0 = jg * UNROLL + u
            b = u % NRING
            a = u % IRING

            row_wait(a, b)
            pltpu.sync_copy(rows[b], agg_sh.at[ib[a].at[1]], add=True)
            for i in range(CHUNK // 16):
                idx16 = ib[a][1, pl.ds(i * 16, 16)]
                plsc.addupdate_scatter(deg_v, [idx16], ones)

            @pl.when(j0 + IRING < count)
            def _():
                idx_fetch(j0 + IRING, a)

            @pl.when(j0 + 2 < count)
            def _():
                a2 = (u + 2) % IRING
                idx_wait(j0 + 2, a2)
                row_gather(a2, (u + 2) % NRING)

        return carry

    lax.fori_loop(0, count // UNROLL, body, 0)
    plsc.subcore_barrier()

    pltpu.sync_copy(
        agg_sh.at[pl.ds(s * ROWS_PER_TILE, ROWS_PER_TILE)],
        agg_out.at[c, pl.ds(s * ROWS_PER_TILE, ROWS_PER_TILE)],
    )
    pltpu.sync_copy(deg_v, deg_out.at[g])


_FIN_BLK = 1024


def _final_body(a0_ref, a1_ref, deg_ref, w_ref, b_ref, noise_ref, o_ref):
    i = pl.program_id(0)
    deg = jnp.sum(deg_ref[:, pl.ds(i * _FIN_BLK, _FIN_BLK)], axis=0)
    agg = a0_ref[0] + a1_ref[0]
    mean = agg / jnp.maximum(deg, 1.0)[:, None]
    o_ref[...] = (
        jnp.dot(mean, w_ref[...], preferred_element_type=jnp.float32)
        + b_ref[...]
        + noise_ref[...] * SIGMA
    )


def _final(agg_part, deg_part, W, b2, noise):
    return pl.pallas_call(
        _final_body,
        grid=(-(-N // _FIN_BLK),),
        in_specs=[
            pl.BlockSpec((1, _FIN_BLK, D), lambda i: (0, i, 0)),
            pl.BlockSpec((1, _FIN_BLK, D), lambda i: (1, i, 0)),
            pl.BlockSpec((NW, NPAD), lambda i: (0, 0)),
            pl.BlockSpec((D, D), lambda i: (0, 0)),
            pl.BlockSpec((1, D), lambda i: (0, 0)),
            pl.BlockSpec((_FIN_BLK, D), lambda i: (i, 0)),
        ],
        out_specs=pl.BlockSpec((_FIN_BLK, D), lambda i: (i, 0)),
        out_shape=jax.ShapeDtypeStruct((N, D), jnp.float32),
    )(agg_part, agg_part, deg_part, W, b2, noise)


def kernel(x, edge_index, W, b, noise):
    xn2 = _normalize(x).reshape(2 * N, D)
    idx2 = _idxprep(edge_index).reshape(2, TCH, CHUNK)

    zrow = jnp.zeros((ROWS_PER_TILE, D), jnp.float32)
    zdeg = jnp.zeros((NPAD,), jnp.float32)

    agg_part, deg_part = _sc_scatter(xn2, idx2, zrow, zdeg)

    return _final(agg_part, deg_part, W, b.reshape(1, D), noise)

# --- scband reference (transcript-rebuilt; emitter-appended) ---
"""Pipeline reference for scband-noisy-embedding-12068858102165 (READ-ONLY COPY).

The authoritative reference and input builder live on the scoring server;
editing this copy changes nothing except your own understanding.
"""

import jax, jax.numpy as jnp
import numpy as np

N = 10000
E = 320000
D = 128
SIGMA = 0.1


def setup_inputs(seed: int = 0) -> dict:
    key = jax.random.key(seed)
    k1, k2, k3, k4 = jax.random.split(key, 4)
    x = jax.random.normal(k1, (N, D), dtype=jnp.float32)
    edge_index = jax.random.randint(k2, (2, E), 0, N, dtype=jnp.int32)
    # learned params of the wrapped GCN conv (mean-aggregate + linear)
    W = jax.random.normal(k3, (D, D), dtype=jnp.float32) * 0.05
    b = jnp.zeros((D,), dtype=jnp.float32)
    # torch.randn noise materialized as an input for determinism
    noise = jax.random.normal(k4, (N, D), dtype=jnp.float32)
    return {"x": x, "edge_index": edge_index, "W": W, "b": b, "noise": noise}


def reference(x, edge_index, W, b, noise):
    # F.normalize(x, dim=1) -> L2 row normalization
    norm = jnp.linalg.norm(x, axis=1, keepdims=True)
    xn = x / jnp.clip(norm, 1e-12)
    src = edge_index[0]
    dst = edge_index[1]
    # GCN conv: mean aggregation of neighbor features via scatter-add, then linear
    deg = jnp.zeros((N,), dtype=jnp.float32).at[dst].add(1.0)
    agg = jnp.zeros((N, D), dtype=jnp.float32).at[dst].add(jnp.take(xn, src, axis=0))
    agg = agg / jnp.clip(deg, 1.0)[:, None]
    out = agg @ W + b
    # NoisyEmbedding: add gaussian noise scaled by sigma
    out = out + noise * SIGMA
    return out

if __name__ == "__main__":
    import jax
    _d = setup_inputs()
    print(jax.jit(kernel)(*tuple(_d.values())))

</pallas_src>

<mosaic_0001>
#map = affine_map<(d0, d1) -> (0, 0)>
#map1 = affine_map<(d0, d1) -> (0, 0, 0)>
#map2 = affine_map<(d0, d1) -> (0)>
module attributes {stable_mosaic.version = 14 : i64} {
  func.func @_sc_scatter(%arg0: i32, %arg1: i32, %arg2: memref<20000x128xf32, #tpu.memory_space<hbm>>, %arg3: memref<2x3360x96xi32, #tpu.memory_space<hbm>>, %arg4: memref<640x128xf32, #tpu.memory_space<hbm>>, %arg5: memref<10240xf32, #tpu.memory_space<hbm>>, %arg6: memref<2x10240x128xf32, #tpu.memory_space<hbm>>, %arg7: memref<32x10240xf32, #tpu.memory_space<hbm>>, %arg8: memref<2x96xi32, #tpu.memory_space<vmem>>, %arg9: memref<2x96xi32, #tpu.memory_space<vmem>>, %arg10: memref<2x96xi32, #tpu.memory_space<vmem>>, %arg11: memref<96x128xf32, #tpu.memory_space<vmem>>, %arg12: memref<96x128xf32, #tpu.memory_space<vmem>>, %arg13: memref<96x128xf32, #tpu.memory_space<vmem>>, %arg14: memref<10240xf32, #tpu.memory_space<vmem>>, %arg15: memref<10240x128xf32, #tpu.memory_space<vmem_shared>>, %arg16: memref<!tpu.dma_semaphore, #tpu.memory_space<semaphore_mem>>, %arg17: memref<!tpu.dma_semaphore, #tpu.memory_space<semaphore_mem>>, %arg18: memref<!tpu.dma_semaphore, #tpu.memory_space<semaphore_mem>>, %arg19: memref<!tpu.dma_semaphore, #tpu.memory_space<semaphore_mem>>, %arg20: memref<!tpu.dma_semaphore, #tpu.memory_space<semaphore_mem>>, %arg21: memref<!tpu.dma_semaphore, #tpu.memory_space<semaphore_mem>>) attributes {dimension_semantics = [#tpu.dimension_semantics<core_parallel>, #tpu.dimension_semantics<subcore_parallel>], iteration_bounds = array<i64: 2, 16>, scalar_prefetch = 0 : i64, scratch_operands = 14 : i64, tpu.core_type = #tpu.core_type<sc_vector_subcore>, window_params = [{transform_indices = #map}, {transform_indices = #map1}, {transform_indices = #map}, {transform_indices = #map2}, {transform_indices = #map1}, {transform_indices = #map}]} {
    %mul3A = arith.constant 16 : i32
    %mul3A_0 = arith.muli %arg0, %mul3A : i32
    %add3A = arith.addi %mul3A_0, %arg1 : i32
    %eq3A = arith.constant 0 : i32
    %eq3A_1 = arith.cmpi eq, %arg0, %eq3A : i32
    %mul3A_2 = arith.constant 120 : i32
    %mul3A_3 = arith.muli %arg1, %mul3A_2 : i32
    %mul3A_4 = arith.constant 90 : i32
    %mul3A_5 = arith.muli %arg1, %mul3A_4 : i32
    %add3A_6 = arith.constant 1920 : i32
    %add3A_7 = arith.addi %add3A_6, %mul3A_5 : i32
    %select_n3A = arith.select %eq3A_1, %mul3A_3, %add3A_7 : i32
    %eq3A_8 = arith.constant 0 : i32
    %eq3A_9 = arith.cmpi eq, %arg0, %eq3A_8 : i32
    %jit3A = arith.constant 120 : i32
    %jit3A_10 = arith.constant 90 : i32
    %select_n3A_11 = arith.select %eq3A_9, %jit3A, %jit3A_10 : i32
    %mul3A_12 = arith.constant 640 : i32
    %mul3A_13 = arith.muli %arg1, %mul3A_12 : i32
    "tpu.region"() ({
      %run_scoped3A = tpu.sem_alloc : memref<!tpu.dma_semaphore, #tpu.memory_space<semaphore_mem>>
      %dma_start3A_219 = arith.constant 0 : i32
      %dma_start3A_220 = tpu.memref_slice %arg15[%mul3A_13, %dma_start3A_219] : memref<10240x128xf32, #tpu.memory_space<vmem_shared>> -> memref<640x128xf32, #tpu.memory_space<vmem_shared>>
      tpu.enqueue_dma source(%arg4 : memref<640x128xf32, #tpu.memory_space<hbm>>) target(%dma_start3A_220 : memref<640x128xf32, #tpu.memory_space<vmem_shared>>) target_semaphore(%run_scoped3A : memref<!tpu.dma_semaphore, #tpu.memory_space<semaphore_mem>>)
      %dma_wait3A_221 = arith.constant 0 : i32
      %dma_wait3A_222 = tpu.memref_slice %arg15[%mul3A_13, %dma_wait3A_221] : memref<10240x128xf32, #tpu.memory_space<vmem_shared>> -> memref<640x128xf32, #tpu.memory_space<vmem_shared>>
      tpu.wait_dma2 semaphore(%run_scoped3A : memref<!tpu.dma_semaphore, #tpu.memory_space<semaphore_mem>>) src(%arg4 : memref<640x128xf32, #tpu.memory_space<hbm>>) dst(%dma_wait3A_222 : memref<640x128xf32, #tpu.memory_space<vmem_shared>>)
      tpu.yield
    }) : () -> ()
    "tpu.region"() ({
      %run_scoped3A = tpu.sem_alloc : memref<!tpu.dma_semaphore, #tpu.memory_space<semaphore_mem>>
      tpu.enqueue_dma source(%arg5 : memref<10240xf32, #tpu.memory_space<hbm>>) target(%arg14 : memref<10240xf32, #tpu.memory_space<vmem>>) target_semaphore(%run_scoped3A : memref<!tpu.dma_semaphore, #tpu.memory_space<semaphore_mem>>)
      tpu.wait_dma2 semaphore(%run_scoped3A : memref<!tpu.dma_semaphore, #tpu.memory_space<semaphore_mem>>) src(%arg5 : memref<10240xf32, #tpu.memory_space<hbm>>) dst(%arg14 : memref<10240xf32, #tpu.memory_space<vmem>>)
      tpu.yield
    }) : () -> ()
    %barrier3A = arith.constant 0 : index
    tpu.barrier barrier_id(%barrier3A)
    %broadcast_in_dim3A = arith.constant 1.000000e+00 : f32
    %broadcast_in_dim3A_14 = vector.broadcast %broadcast_in_dim3A : f32 to vector<16xf32>
    %add3A_15 = arith.constant 0 : i32
    %add3A_16 = arith.addi %select_n3A, %add3A_15 : i32
    %dma_start3A = arith.constant 0 : i32
    %dma_start3A_17 = arith.constant 0 : i32
    %dma_start3A_18 = arith.constant 0 : i32
    %dma_start3A_19 = tpu.memref_slice %arg8[%dma_start3A_17, %dma_start3A_18] : memref<2x96xi32, #tpu.memory_space<vmem>> -> memref<1x96xi32, #tpu.memory_space<vmem>>
    %dma_start3A_20 = tpu.memref_squeeze %dma_start3A_19 : memref<1x96xi32, #tpu.memory_space<vmem>> -> memref<96xi32, #tpu.memory_space<vmem>>
    %dma_start3A_21 = arith.constant 0 : i32
    %dma_start3A_22 = tpu.memref_slice %arg3[%dma_start3A, %add3A_16, %dma_start3A_21] : memref<2x3360x96xi32, #tpu.memory_space<hbm>> -> memref<1x1x96xi32, #tpu.memory_space<hbm>>
    %dma_start3A_23 = tpu.memref_squeeze %dma_start3A_22 : memref<1x1x96xi32, #tpu.memory_space<hbm>> -> memref<96xi32, #tpu.memory_space<hbm>>
    %dma_start3A_24 = arith.constant 0 : i32
    %dma_start3A_25 = tpu.memref_slice %arg8[%dma_start3A_17, %dma_start3A_24] : memref<2x96xi32, #tpu.memory_space<vmem>> -> memref<1x96xi32, #tpu.memory_space<vmem>>
    %dma_start3A_26 = tpu.memref_squeeze %dma_start3A_25 : memref<1x96xi32, #tpu.memory_space<vmem>> -> memref<96xi32, #tpu.memory_space<vmem>>
    %dma_start3A_27 = arith.constant 0 : i32
    %dma_start3A_28 = tpu.memref_slice %arg3[%dma_start3A, %add3A_16, %dma_start3A_27] : memref<2x3360x96xi32, #tpu.memory_space<hbm>> -> memref<1x1x96xi32, #tpu.memory_space<hbm>>
    %dma_start3A_29 = tpu.memref_squeeze %dma_start3A_28 : memref<1x1x96xi32, #tpu.memory_space<hbm>> -> memref<96xi32, #tpu.memory_space<hbm>>
    tpu.enqueue_dma source(%dma_start3A_29 : memref<96xi32, #tpu.memory_space<hbm>>) target(%dma_start3A_26 : memref<96xi32, #tpu.memory_space<vmem>>) target_semaphore(%arg16 : memref<!tpu.dma_semaphore, #tpu.memory_space<semaphore_mem>>)
    %add3A_30 = arith.constant 0 : i32
    %add3A_31 = arith.addi %select_n3A, %add3A_30 : i32
    %dma_start3A_32 = arith.constant 1 : i32
    %dma_start3A_33 = arith.constant 1 : i32
    %dma_start3A_34 = arith.constant 0 : i32
    %dma_start3A_35 = tpu.memref_slice %arg8[%dma_start3A_33, %dma_start3A_34] : memref<2x96xi32, #tpu.memory_space<vmem>> -> memref<1x96xi32, #tpu.memory_space<vmem>>
    %dma_start3A_36 = tpu.memref_squeeze %dma_start3A_35 : memref<1x96xi32, #tpu.memory_space<vmem>> -> memref<96xi32, #tpu.memory_space<vmem>>
    %dma_start3A_37 = arith.constant 0 : i32
    %dma_start3A_38 = tpu.memref_slice %arg3[%dma_start3A_32, %add3A_31, %dma_start3A_37] : memref<2x3360x96xi32, #tpu.memory_space<hbm>> -> memref<1x1x96xi32, #tpu.memory_space<hbm>>
    %dma_start3A_39 = tpu.memref_squeeze %dma_start3A_38 : memref<1x1x96xi32, #tpu.memory_space<hbm>> -> memref<96xi32, #tpu.memory_space<hbm>>
    %dma_start3A_40 = arith.constant 0 : i32
    %dma_start3A_41 = tpu.memref_slice %arg8[%dma_start3A_33, %dma_start3A_40] : memref<2x96xi32, #tpu.memory_space<vmem>> -> memref<1x96xi32, #tpu.memory_space<vmem>>
    %dma_start3A_42 = tpu.memref_squeeze %dma_start3A_41 : memref<1x96xi32, #tpu.memory_space<vmem>> -> memref<96xi32, #tpu.memory_space<vmem>>
    %dma_start3A_43 = arith.constant 0 : i32
    %dma_start3A_44 = tpu.memref_slice %arg3[%dma_start3A_32, %add3A_31, %dma_start3A_43] : memref<2x3360x96xi32, #tpu.memory_space<hbm>> -> memref<1x1x96xi32, #tpu.memory_space<hbm>>
    %dma_start3A_45 = tpu.memref_squeeze %dma_start3A_44 : memref<1x1x96xi32, #tpu.memory_space<hbm>> -> memref<96xi32, #tpu.memory_space<hbm>>
    tpu.enqueue_dma source(%dma_start3A_45 : memref<96xi32, #tpu.memory_space<hbm>>) target(%dma_start3A_42 : memref<96xi32, #tpu.memory_space<vmem>>) target_semaphore(%arg16 : memref<!tpu.dma_semaphore, #tpu.memory_space<semaphore_mem>>)
    %add3A_46 = arith.constant 1 : i32
    %add3A_47 = arith.addi %select_n3A, %add3A_46 : i32
    %dma_start3A_48 = arith.constant 0 : i32
    %dma_start3A_49 = arith.constant 0 : i32
    %dma_start3A_50 = arith.constant 0 : i32
    %dma_start3A_51 = tpu.memref_slice %arg9[%dma_start3A_49, %dma_start3A_50] : memref<2x96xi32, #tpu.memory_space<vmem>> -> memref<1x96xi32, #tpu.memory_space<vmem>>
    %dma_start3A_52 = tpu.memref_squeeze %dma_start3A_51 : memref<1x96xi32, #tpu.memory_space<vmem>> -> memref<96xi32, #tpu.memory_space<vmem>>
    %dma_start3A_53 = arith.constant 0 : i32
    %dma_start3A_54 = tpu.memref_slice %arg3[%dma_start3A_48, %add3A_47, %dma_start3A_53] : memref<2x3360x96xi32, #tpu.memory_space<hbm>> -> memref<1x1x96xi32, #tpu.memory_space<hbm>>
    %dma_start3A_55 = tpu.memref_squeeze %dma_start3A_54 : memref<1x1x96xi32, #tpu.memory_space<hbm>> -> memref<96xi32, #tpu.memory_space<hbm>>
    %dma_start3A_56 = arith.constant 0 : i32
    %dma_start3A_57 = tpu.memref_slice %arg9[%dma_start3A_49, %dma_start3A_56] : memref<2x96xi32, #tpu.memory_space<vmem>> -> memref<1x96xi32, #tpu.memory_space<vmem>>
    %dma_start3A_58 = tpu.memref_squeeze %dma_start3A_57 : memref<1x96xi32, #tpu.memory_space<vmem>> -> memref<96xi32, #tpu.memory_space<vmem>>
    %dma_start3A_59 = arith.constant 0 : i32
    %dma_start3A_60 = tpu.memref_slice %arg3[%dma_start3A_48, %add3A_47, %dma_start3A_59] : memref<2x3360x96xi32, #tpu.memory_space<hbm>> -> memref<1x1x96xi32, #tpu.memory_space<hbm>>
    %dma_start3A_61 = tpu.memref_squeeze %dma_start3A_60 : memref<1x1x96xi32, #tpu.memory_space<hbm>> -> memref<96xi32, #tpu.memory_space<hbm>>
    tpu.enqueue_dma source(%dma_start3A_61 : memref<96xi32, #tpu.memory_space<hbm>>) target(%dma_start3A_58 : memref<96xi32, #tpu.memory_space<vmem>>) target_semaphore(%arg17 : memref<!tpu.dma_semaphore, #tpu.memory_space<semaphore_mem>>)
    %add3A_62 = arith.constant 1 : i32
    %add3A_63 = arith.addi %select_n3A, %add3A_62 : i32
    %dma_start3A_64 = arith.constant 1 : i32
    %dma_start3A_65 = arith.constant 1 : i32
    %dma_start3A_66 = arith.constant 0 : i32
    %dma_start3A_67 = tpu.memref_slice %arg9[%dma_start3A_65, %dma_start3A_66] : memref<2x96xi32, #tpu.memory_space<vmem>> -> memref<1x96xi32, #tpu.memory_space<vmem>>
    %dma_start3A_68 = tpu.memref_squeeze %dma_start3A_67 : memref<1x96xi32, #tpu.memory_space<vmem>> -> memref<96xi32, #tpu.memory_space<vmem>>
    %dma_start3A_69 = arith.constant 0 : i32
    %dma_start3A_70 = tpu.memref_slice %arg3[%dma_start3A_64, %add3A_63, %dma_start3A_69] : memref<2x3360x96xi32, #tpu.memory_space<hbm>> -> memref<1x1x96xi32, #tpu.memory_space<hbm>>
    %dma_start3A_71 = tpu.memref_squeeze %dma_start3A_70 : memref<1x1x96xi32, #tpu.memory_space<hbm>> -> memref<96xi32, #tpu.memory_space<hbm>>
    %dma_start3A_72 = arith.constant 0 : i32
    %dma_start3A_73 = tpu.memref_slice %arg9[%dma_start3A_65, %dma_start3A_72] : memref<2x96xi32, #tpu.memory_space<vmem>> -> memref<1x96xi32, #tpu.memory_space<vmem>>
    %dma_start3A_74 = tpu.memref_squeeze %dma_start3A_73 : memref<1x96xi32, #tpu.memory_space<vmem>> -> memref<96xi32, #tpu.memory_space<vmem>>
    %dma_start3A_75 = arith.constant 0 : i32
    %dma_start3A_76 = tpu.memref_slice %arg3[%dma_start3A_64, %add3A_63, %dma_start3A_75] : memref<2x3360x96xi32, #tpu.memory_space<hbm>> -> memref<1x1x96xi32, #tpu.memory_space<hbm>>
    %dma_start3A_77 = tpu.memref_squeeze %dma_start3A_76 : memref<1x1x96xi32, #tpu.memory_space<hbm>> -> memref<96xi32, #tpu.memory_space<hbm>>
    tpu.enqueue_dma source(%dma_start3A_77 : memref<96xi32, #tpu.memory_space<hbm>>) target(%dma_start3A_74 : memref<96xi32, #tpu.memory_space<vmem>>) target_semaphore(%arg17 : memref<!tpu.dma_semaphore, #tpu.memory_space<semaphore_mem>>)
    %add3A_78 = arith.constant 2 : i32
    %add3A_79 = arith.addi %select_n3A, %add3A_78 : i32
    %dma_start3A_80 = arith.constant 0 : i32
    %dma_start3A_81 = arith.constant 0 : i32
    %dma_start3A_82 = arith.constant 0 : i32
    %dma_start3A_83 = tpu.memref_slice %arg10[%dma_start3A_81, %dma_start3A_82] : memref<2x96xi32, #tpu.memory_space<vmem>> -> memref<1x96xi32, #tpu.memory_space<vmem>>
    %dma_start3A_84 = tpu.memref_squeeze %dma_start3A_83 : memref<1x96xi32, #tpu.memory_space<vmem>> -> memref<96xi32, #tpu.memory_space<vmem>>
    %dma_start3A_85 = arith.constant 0 : i32
    %dma_start3A_86 = tpu.memref_slice %arg3[%dma_start3A_80, %add3A_79, %dma_start3A_85] : memref<2x3360x96xi32, #tpu.memory_space<hbm>> -> memref<1x1x96xi32, #tpu.memory_space<hbm>>
    %dma_start3A_87 = tpu.memref_squeeze %dma_start3A_86 : memref<1x1x96xi32, #tpu.memory_space<hbm>> -> memref<96xi32, #tpu.memory_space<hbm>>
    %dma_start3A_88 = arith.constant 0 : i32
    %dma_start3A_89 = tpu.memref_slice %arg10[%dma_start3A_81, %dma_start3A_88] : memref<2x96xi32, #tpu.memory_space<vmem>> -> memref<1x96xi32, #tpu.memory_space<vmem>>
    %dma_start3A_90 = tpu.memref_squeeze %dma_start3A_89 : memref<1x96xi32, #tpu.memory_space<vmem>> -> memref<96xi32, #tpu.memory_space<vmem>>
    %dma_start3A_91 = arith.constant 0 : i32
    %dma_start3A_92 = tpu.memref_slice %arg3[%dma_start3A_80, %add3A_79, %dma_start3A_91] : memref<2x3360x96xi32, #tpu.memory_space<hbm>> -> memref<1x1x96xi32, #tpu.memory_space<hbm>>
    %dma_start3A_93 = tpu.memref_squeeze %dma_start3A_92 : memref<1x1x96xi32, #tpu.memory_space<hbm>> -> memref<96xi32, #tpu.memory_space<hbm>>
    tpu.enqueue_dma source(%dma_start3A_93 : memref<96xi32, #tpu.memory_space<hbm>>) target(%dma_start3A_90 : memref<96xi32, #tpu.memory_space<vmem>>) target_semaphore(%arg18 : memref<!tpu.dma_semaphore, #tpu.memory_space<semaphore_mem>>)
    %add3A_94 = arith.constant 2 : i32
    %add3A_95 = arith.addi %select_n3A, %add3A_94 : i32
    %dma_start3A_96 = arith.constant 1 : i32
    %dma_start3A_97 = arith.constant 1 : i32
    %dma_start3A_98 = arith.constant 0 : i32
    %dma_start3A_99 = tpu.memref_slice %arg10[%dma_start3A_97, %dma_start3A_98] : memref<2x96xi32, #tpu.memory_space<vmem>> -> memref<1x96xi32, #tpu.memory_space<vmem>>
    %dma_start3A_100 = tpu.memref_squeeze %dma_start3A_99 : memref<1x96xi32, #tpu.memory_space<vmem>> -> memref<96xi32, #tpu.memory_space<vmem>>
    %dma_start3A_101 = arith.constant 0 : i32
    %dma_start3A_102 = tpu.memref_slice %arg3[%dma_start3A_96, %add3A_95, %dma_start3A_101] : memref<2x3360x96xi32, #tpu.memory_space<hbm>> -> memref<1x1x96xi32, #tpu.memory_space<hbm>>
    %dma_start3A_103 = tpu.memref_squeeze %dma_start3A_102 : memref<1x1x96xi32, #tpu.memory_space<hbm>> -> memref<96xi32, #tpu.memory_space<hbm>>
    %dma_start3A_104 = arith.constant 0 : i32
    %dma_start3A_105 = tpu.memref_slice %arg10[%dma_start3A_97, %dma_start3A_104] : memref<2x96xi32, #tpu.memory_space<vmem>> -> memref<1x96xi32, #tpu.memory_space<vmem>>
    %dma_start3A_106 = tpu.memref_squeeze %dma_start3A_105 : memref<1x96xi32, #tpu.memory_space<vmem>> -> memref<96xi32, #tpu.memory_space<vmem>>
    %dma_start3A_107 = arith.constant 0 : i32
    %dma_start3A_108 = tpu.memref_slice %arg3[%dma_start3A_96, %add3A_95, %dma_start3A_107] : memref<2x3360x96xi32, #tpu.memory_space<hbm>> -> memref<1x1x96xi32, #tpu.memory_space<hbm>>
    %dma_start3A_109 = tpu.memref_squeeze %dma_start3A_108 : memref<1x1x96xi32, #tpu.memory_space<hbm>> -> memref<96xi32, #tpu.memory_space<hbm>>
    tpu.enqueue_dma source(%dma_start3A_109 : memref<96xi32, #tpu.memory_space<hbm>>) target(%dma_start3A_106 : memref<96xi32, #tpu.memory_space<vmem>>) target_semaphore(%arg18 : memref<!tpu.dma_semaphore, #tpu.memory_space<semaphore_mem>>)
    %add3A_110 = arith.constant 0 : i32
    %add3A_111 = arith.addi %select_n3A, %add3A_110 : i32
    %dma_wait3A = arith.constant 0 : i32
    %dma_wait3A_112 = arith.constant 0 : i32
    %dma_wait3A_113 = arith.constant 0 : i32
    %dma_wait3A_114 = tpu.memref_slice %arg8[%dma_wait3A_112, %dma_wait3A_113] : memref<2x96xi32, #tpu.memory_space<vmem>> -> memref<1x96xi32, #tpu.memory_space<vmem>>
    %dma_wait3A_115 = tpu.memref_squeeze %dma_wait3A_114 : memref<1x96xi32, #tpu.memory_space<vmem>> -> memref<96xi32, #tpu.memory_space<vmem>>
    %dma_wait3A_116 = arith.constant 0 : i32
    %dma_wait3A_117 = tpu.memref_slice %arg3[%dma_wait3A, %add3A_111, %dma_wait3A_116] : memref<2x3360x96xi32, #tpu.memory_space<hbm>> -> memref<1x1x96xi32, #tpu.memory_space<hbm>>
    %dma_wait3A_118 = tpu.memref_squeeze %dma_wait3A_117 : memref<1x1x96xi32, #tpu.memory_space<hbm>> -> memref<96xi32, #tpu.memory_space<hbm>>
    %dma_wait3A_119 = arith.constant 0 : i32
    %dma_wait3A_120 = tpu.memref_slice %arg8[%dma_wait3A_112, %dma_wait3A_119] : memref<2x96xi32, #tpu.memory_space<vmem>> -> memref<1x96xi32, #tpu.memory_space<vmem>>
    %dma_wait3A_121 = tpu.memref_squeeze %dma_wait3A_120 : memref<1x96xi32, #tpu.memory_space<vmem>> -> memref<96xi32, #tpu.memory_space<vmem>>
    %dma_wait3A_122 = arith.constant 0 : i32
    %dma_wait3A_123 = tpu.memref_slice %arg3[%dma_wait3A, %add3A_111, %dma_wait3A_122] : memref<2x3360x96xi32, #tpu.memory_space<hbm>> -> memref<1x1x96xi32, #tpu.memory_space<hbm>>
    %dma_wait3A_124 = tpu.memref_squeeze %dma_wait3A_123 : memref<1x1x96xi32, #tpu.memory_space<hbm>> -> memref<96xi32, #tpu.memory_space<hbm>>
    tpu.wait_dma2 semaphore(%arg16 : memref<!tpu.dma_semaphore, #tpu.memory_space<semaphore_mem>>) src(%dma_wait3A_124 : memref<96xi32, #tpu.memory_space<hbm>>) dst(%dma_wait3A_121 : memref<96xi32, #tpu.memory_space<vmem>>)
    %add3A_125 = arith.constant 0 : i32
    %add3A_126 = arith.addi %select_n3A, %add3A_125 : i32
    %dma_wait3A_127 = arith.constant 1 : i32
    %dma_wait3A_128 = arith.constant 1 : i32
    %dma_wait3A_129 = arith.constant 0 : i32
    %dma_wait3A_130 = tpu.memref_slice %arg8[%dma_wait3A_128, %dma_wait3A_129] : memref<2x96xi32, #tpu.memory_space<vmem>> -> memref<1x96xi32, #tpu.memory_space<vmem>>
    %dma_wait3A_131 = tpu.memref_squeeze %dma_wait3A_130 : memref<1x96xi32, #tpu.memory_space<vmem>> -> memref<96xi32, #tpu.memory_space<vmem>>
    %dma_wait3A_132 = arith.constant 0 : i32
    %dma_wait3A_133 = tpu.memref_slice %arg3[%dma_wait3A_127, %add3A_126, %dma_wait3A_132] : memref<2x3360x96xi32, #tpu.memory_space<hbm>> -> memref<1x1x96xi32, #tpu.memory_space<hbm>>
    %dma_wait3A_134 = tpu.memref_squeeze %dma_wait3A_133 : memref<1x1x96xi32, #tpu.memory_space<hbm>> -> memref<96xi32, #tpu.memory_space<hbm>>
    %dma_wait3A_135 = arith.constant 0 : i32
    %dma_wait3A_136 = tpu.memref_slice %arg8[%dma_wait3A_128, %dma_wait3A_135] : memref<2x96xi32, #tpu.memory_space<vmem>> -> memref<1x96xi32, #tpu.memory_space<vmem>>
    %dma_wait3A_137 = tpu.memref_squeeze %dma_wait3A_136 : memref<1x96xi32, #tpu.memory_space<vmem>> -> memref<96xi32, #tpu.memory_space<vmem>>
    %dma_wait3A_138 = arith.constant 0 : i32
    %dma_wait3A_139 = tpu.memref_slice %arg3[%dma_wait3A_127, %add3A_126, %dma_wait3A_138] : memref<2x3360x96xi32, #tpu.memory_space<hbm>> -> memref<1x1x96xi32, #tpu.memory_space<hbm>>
    %dma_wait3A_140 = tpu.memref_squeeze %dma_wait3A_139 : memref<1x1x96xi32, #tpu.memory_space<hbm>> -> memref<96xi32, #tpu.memory_space<hbm>>
    tpu.wait_dma2 semaphore(%arg16 : memref<!tpu.dma_semaphore, #tpu.memory_space<semaphore_mem>>) src(%dma_wait3A_140 : memref<96xi32, #tpu.memory_space<hbm>>) dst(%dma_wait3A_137 : memref<96xi32, #tpu.memory_space<vmem>>)
    %dma_start3A_141 = arith.constant 0 : i32
    %dma_start3A_142 = arith.constant 0 : i32
    %dma_start3A_143 = tpu.memref_slice %arg8[%dma_start3A_141, %dma_start3A_142] : memref<2x96xi32, #tpu.memory_space<vmem>> -> memref<1x96xi32, #tpu.memory_space<vmem>>
    %dma_start3A_144 = tpu.memref_squeeze %dma_start3A_143 : memref<1x96xi32, #tpu.memory_space<vmem>> -> memref<96xi32, #tpu.memory_space<vmem>>
    %dma_start3A_145 = arith.constant 0 : i32
    %dma_start3A_146 = arith.constant 0 : i32
    %dma_start3A_147 = tpu.memref_slice %arg2[%dma_start3A_145, %dma_start3A_146] : memref<20000x128xf32, #tpu.memory_space<hbm>> -> memref<20000x128xf32, #tpu.memory_space<hbm>>
    tpu.enqueue_indirect_dma source(%dma_start3A_147 : memref<20000x128xf32, #tpu.memory_space<hbm>>) target(%arg11 : memref<96x128xf32, #tpu.memory_space<vmem>>) offsets(%dma_start3A_144 : memref<96xi32, #tpu.memory_space<vmem>>) semaphore(%arg19 : memref<!tpu.dma_semaphore, #tpu.memory_space<semaphore_mem>>)
    %add3A_148 = arith.constant 1 : i32
    %add3A_149 = arith.addi %select_n3A, %add3A_148 : i32
    %dma_wait3A_150 = arith.constant 0 : i32
    %dma_wait3A_151 = arith.constant 0 : i32
    %dma_wait3A_152 = arith.constant 0 : i32
    %dma_wait3A_153 = tpu.memref_slice %arg9[%dma_wait3A_151, %dma_wait3A_152] : memref<2x96xi32, #tpu.memory_space<vmem>> -> memref<1x96xi32, #tpu.memory_space<vmem>>
    %dma_wait3A_154 = tpu.memref_squeeze %dma_wait3A_153 : memref<1x96xi32, #tpu.memory_space<vmem>> -> memref<96xi32, #tpu.memory_space<vmem>>
    %dma_wait3A_155 = arith.constant 0 : i32
    %dma_wait3A_156 = tpu.memref_slice %arg3[%dma_wait3A_150, %add3A_149, %dma_wait3A_155] : memref<2x3360x96xi32, #tpu.memory_space<hbm>> -> memref<1x1x96xi32, #tpu.memory_space<hbm>>
    %dma_wait3A_157 = tpu.memref_squeeze %dma_wait3A_156 : memref<1x1x96xi32, #tpu.memory_space<hbm>> -> memref<96xi32, #tpu.memory_space<hbm>>
    %dma_wait3A_158 = arith.constant 0 : i32
    %dma_wait3A_159 = tpu.memref_slice %arg9[%dma_wait3A_151, %dma_wait3A_158] : memref<2x96xi32, #tpu.memory_space<vmem>> -> memref<1x96xi32, #tpu.memory_space<vmem>>
    %dma_wait3A_160 = tpu.memref_squeeze %dma_wait3A_159 : memref<1x96xi32, #tpu.memory_space<vmem>> -> memref<96xi32, #tpu.memory_space<vmem>>
    %dma_wait3A_161 = arith.constant 0 : i32
    %dma_wait3A_162 = tpu.memref_slice %arg3[%dma_wait3A_150, %add3A_149, %dma_wait3A_161] : memref<2x3360x96xi32, #tpu.memory_space<hbm>> -> memref<1x1x96xi32, #tpu.memory_space<hbm>>
    %dma_wait3A_163 = tpu.memref_squeeze %dma_wait3A_162 : memref<1x1x96xi32, #tpu.memory_space<hbm>> -> memref<96xi32, #tpu.memory_space<hbm>>
    tpu.wait_dma2 semaphore(%arg17 : memref<!tpu.dma_semaphore, #tpu.memory_space<semaphore_mem>>) src(%dma_wait3A_163 : memref<96xi32, #tpu.memory_space<hbm>>) dst(%dma_wait3A_160 : memref<96xi32, #tpu.memory_space<vmem>>)
    %add3A_164 = arith.constant 1 : i32
    %add3A_165 = arith.addi %select_n3A, %add3A_164 : i32
    %dma_wait3A_166 = arith.constant 1 : i32
    %dma_wait3A_167 = arith.constant 1 : i32
    %dma_wait3A_168 = arith.constant 0 : i32
    %dma_wait3A_169 = tpu.memref_slice %arg9[%dma_wait3A_167, %dma_wait3A_168] : memref<2x96xi32, #tpu.memory_space<vmem>> -> memref<1x96xi32, #tpu.memory_space<vmem>>
    %dma_wait3A_170 = tpu.memref_squeeze %dma_wait3A_169 : memref<1x96xi32, #tpu.memory_space<vmem>> -> memref<96xi32, #tpu.memory_space<vmem>>
    %dma_wait3A_171 = arith.constant 0 : i32
    %dma_wait3A_172 = tpu.memref_slice %arg3[%dma_wait3A_166, %add3A_165, %dma_wait3A_171] : memref<2x3360x96xi32, #tpu.memory_space<hbm>> -> memref<1x1x96xi32, #tpu.memory_space<hbm>>
    %dma_wait3A_173 = tpu.memref_squeeze %dma_wait3A_172 : memref<1x1x96xi32, #tpu.memory_space<hbm>> -> memref<96xi32, #tpu.memory_space<hbm>>
    %dma_wait3A_174 = arith.constant 0 : i32
    %dma_wait3A_175 = tpu.memref_slice %arg9[%dma_wait3A_167, %dma_wait3A_174] : memref<2x96xi32, #tpu.memory_space<vmem>> -> memref<1x96xi32, #tpu.memory_space<vmem>>
    %dma_wait3A_176 = tpu.memref_squeeze %dma_wait3A_175 : memref<1x96xi32, #tpu.memory_space<vmem>> -> memref<96xi32, #tpu.memory_space<vmem>>
    %dma_wait3A_177 = arith.constant 0 : i32
    %dma_wait3A_178 = tpu.memref_slice %arg3[%dma_wait3A_166, %add3A_165, %dma_wait3A_177] : memref<2x3360x96xi32, #tpu.memory_space<hbm>> -> memref<1x1x96xi32, #tpu.memory_space<hbm>>
    %dma_wait3A_179 = tpu.memref_squeeze %dma_wait3A_178 : memref<1x1x96xi32, #tpu.memory_space<hbm>> -> memref<96xi32, #tpu.memory_space<hbm>>
    tpu.wait_dma2 semaphore(%arg17 : memref<!tpu.dma_semaphore, #tpu.memory_space<semaphore_mem>>) src(%dma_wait3A_179 : memref<96xi32, #tpu.memory_space<hbm>>) dst(%dma_wait3A_176 : memref<96xi32, #tpu.memory_space<vmem>>)
    %dma_start3A_180 = arith.constant 0 : i32
    %dma_start3A_181 = arith.constant 0 : i32
    %dma_start3A_182 = tpu.memref_slice %arg9[%dma_start3A_180, %dma_start3A_181] : memref<2x96xi32, #tpu.memory_space<vmem>> -> memref<1x96xi32, #tpu.memory_space<vmem>>
    %dma_start3A_183 = tpu.memref_squeeze %dma_start3A_182 : memref<1x96xi32, #tpu.memory_space<vmem>> -> memref<96xi32, #tpu.memory_space<vmem>>
    %dma_start3A_184 = arith.constant 0 : i32
    %dma_start3A_185 = arith.constant 0 : i32
    %dma_start3A_186 = tpu.memref_slice %arg2[%dma_start3A_184, %dma_start3A_185] : memref<20000x128xf32, #tpu.memory_space<hbm>> -> memref<20000x128xf32, #tpu.memory_space<hbm>>
    tpu.enqueue_indirect_dma source(%dma_start3A_186 : memref<20000x128xf32, #tpu.memory_space<hbm>>) target(%arg12 : memref<96x128xf32, #tpu.memory_space<vmem>>) offsets(%dma_start3A_183 : memref<96xi32, #tpu.memory_space<vmem>>) semaphore(%arg20 : memref<!tpu.dma_semaphore, #tpu.memory_space<semaphore_mem>>)
    %jit3A_187 = arith.constant 3 : i32
    %div3A = arith.divsi %select_n3A_11, %jit3A_187 : i32
    %sign3A = arith.constant 0 : i32
    %sign3A_188 = arith.cmpi sgt, %select_n3A_11, %sign3A : i32
    %sign3A_189 = arith.extui %sign3A_188 : i1 to i32
    %sign3A_190 = arith.constant 0 : i32
    %sign3A_191 = arith.cmpi slt, %select_n3A_11, %sign3A_190 : i32
    %sign3A_192 = arith.extui %sign3A_191 : i1 to i32
    %sign3A_193 = arith.subi %sign3A_189, %sign3A_192 : i32
    %sign3A_194 = arith.constant 0 : i32
    %sign3A_195 = arith.cmpi sgt, %jit3A_187, %sign3A_194 : i32
    %sign3A_196 = arith.extui %sign3A_195 : i1 to i32
    %sign3A_197 = arith.constant 0 : i32
    %sign3A_198 = arith.cmpi slt, %jit3A_187, %sign3A_197 : i32
    %sign3A_199 = arith.extui %sign3A_198 : i1 to i32
    %sign3A_200 = arith.subi %sign3A_196, %sign3A_199 : i32
    %ne3A = arith.cmpi ne, %sign3A_193, %sign3A_200 : i32
    %rem3A = arith.remsi %select_n3A_11, %jit3A_187 : i32
    %ne3A_201 = arith.constant 0 : i32
    %ne3A_202 = arith.cmpi ne, %rem3A, %ne3A_201 : i32
    %and3A = arith.andi %ne3A, %ne3A_202 : i1
    %sub3A = arith.constant 1 : i32
    %sub3A_203 = arith.subi %div3A, %sub3A : i32
    %select_n3A_204 = arith.select %and3A, %sub3A_203, %div3A : i32
    %while3A = arith.constant 0 : i32
    %while3A_205 = arith.constant 0 : i32
    %while3A_206 = arith.subi %select_n3A_204, %while3A_205 : i32
    %while3A_207 = arith.addi %while3A_205, %while3A_206 : i32
    %while3A_208 = arith.constant 1 : i32
    %while3A_209 = arith.divsi %while3A_206, %while3A_208 : i32
    %while3A_210 = arith.muli %while3A_209, %while3A_208 : i32
    %while3A_211 = arith.addi %while3A_205, %while3A_210 : i32
    %while3A_212 = arith.constant 1 : i32
    scf.for %while3A_219 = %while3A_205 to %while3A_211 step %while3A_212  : i32 {
      %mul3A_220 = arith.constant 3 : i32
      %mul3A_221 = arith.muli %while3A_219, %mul3A_220 : i32
      %add3A_222 = arith.constant 0 : i32
      %add3A_223 = arith.addi %mul3A_221, %add3A_222 : i32
      %dma_wait3A_224 = arith.constant 0 : i32
      %dma_wait3A_225 = arith.constant 0 : i32
      %dma_wait3A_226 = tpu.memref_slice %arg8[%dma_wait3A_224, %dma_wait3A_225] : memref<2x96xi32, #tpu.memory_space<vmem>> -> memref<1x96xi32, #tpu.memory_space<vmem>>
      %dma_wait3A_227 = tpu.memref_squeeze %dma_wait3A_226 : memref<1x96xi32, #tpu.memory_space<vmem>> -> memref<96xi32, #tpu.memory_space<vmem>>
      %dma_wait3A_228 = arith.constant 0 : i32
      %dma_wait3A_229 = arith.constant 0 : i32
      %dma_wait3A_230 = tpu.memref_slice %arg2[%dma_wait3A_228, %dma_wait3A_229] : memref<20000x128xf32, #tpu.memory_space<hbm>> -> memref<20000x128xf32, #tpu.memory_space<hbm>>
      tpu.wait_indirect_dma semaphore(%arg19 : memref<!tpu.dma_semaphore, #tpu.memory_space<semaphore_mem>>) src(%dma_wait3A_230 : memref<20000x128xf32, #tpu.memory_space<hbm>>) dst(%arg11 : memref<96x128xf32, #tpu.memory_space<vmem>>)
      %run_scoped3A = arith.constant 1 : i32
      "tpu.region"() ({
        %run_scoped3A_359 = tpu.sem_alloc : memref<!tpu.dma_semaphore, #tpu.memory_space<semaphore_mem>>
        %dma_start3A_360 = arith.constant 0 : i32
        %dma_start3A_361 = tpu.memref_slice %arg8[%run_scoped3A, %dma_start3A_360] : memref<2x96xi32, #tpu.memory_space<vmem>> -> memref<1x96xi32, #tpu.memory_space<vmem>>
        %dma_start3A_362 = tpu.memref_squeeze %dma_start3A_361 : memref<1x96xi32, #tpu.memory_space<vmem>> -> memref<96xi32, #tpu.memory_space<vmem>>
        %dma_start3A_363 = arith.constant 0 : i32
        %dma_start3A_364 = arith.constant 0 : i32
        %dma_start3A_365 = tpu.memref_slice %arg15[%dma_start3A_363, %dma_start3A_364] : memref<10240x128xf32, #tpu.memory_space<vmem_shared>> -> memref<10240x128xf32, #tpu.memory_space<vmem_shared>>
        tpu.enqueue_indirect_dma source(%arg11 : memref<96x128xf32, #tpu.memory_space<vmem>>) target(%dma_start3A_365 : memref<10240x128xf32, #tpu.memory_space<vmem_shared>>) offsets(%dma_start3A_362 : memref<96xi32, #tpu.memory_space<vmem>>) semaphore(%run_scoped3A_359 : memref<!tpu.dma_semaphore, #tpu.memory_space<semaphore_mem>>) {add = true}
        %dma_wait3A_366 = arith.constant 0 : i32
        %dma_wait3A_367 = tpu.memref_slice %arg8[%run_scoped3A, %dma_wait3A_366] : memref<2x96xi32, #tpu.memory_space<vmem>> -> memref<1x96xi32, #tpu.memory_space<vmem>>
        %dma_wait3A_368 = tpu.memref_squeeze %dma_wait3A_367 : memref<1x96xi32, #tpu.memory_space<vmem>> -> memref<96xi32, #tpu.memory_space<vmem>>
        %dma_wait3A_369 = arith.constant 0 : i32
        %dma_wait3A_370 = arith.constant 0 : i32
        %dma_wait3A_371 = tpu.memref_slice %arg15[%dma_wait3A_369, %dma_wait3A_370] : memref<10240x128xf32, #tpu.memory_space<vmem_shared>> -> memref<10240x128xf32, #tpu.memory_space<vmem_shared>>
        tpu.wait_indirect_dma semaphore(%run_scoped3A_359 : memref<!tpu.dma_semaphore, #tpu.memory_space<semaphore_mem>>) src(%arg11 : memref<96x128xf32, #tpu.memory_space<vmem>>) dst(%dma_wait3A_371 : memref<10240x128xf32, #tpu.memory_space<vmem_shared>>)
        tpu.yield
      }) : () -> ()
      %get3A = arith.constant 1 : i32
      %get3A_231 = arith.index_cast %get3A : i32 to index
      %get3A_232 = arith.constant 0 : index
      %get3A_233 = tpu.vector_load %arg8[%get3A_231, %get3A_232] {strides = array<i32>} : memref<2x96xi32, #tpu.memory_space<vmem>>, vector<16xi32>,
      tpu.vector_store_idx %arg14[%get3A_233], %broadcast_in_dim3A_14 {add = true} : memref<10240xf32, #tpu.memory_space<vmem>>[vector<16xi32>], vector<16xf32>,
      %get3A_234 = arith.constant 1 : i32
      %get3A_235 = arith.index_cast %get3A_234 : i32 to index
      %get3A_236 = arith.constant 16 : index
      %get3A_237 = tpu.vector_load %arg8[%get3A_235, %get3A_236] {strides = array<i32>} : memref<2x96xi32, #tpu.memory_space<vmem>>, vector<16xi32>,
      tpu.vector_store_idx %arg14[%get3A_237], %broadcast_in_dim3A_14 {add = true} : memref<10240xf32, #tpu.memory_space<vmem>>[vector<16xi32>], vector<16xf32>,
      %get3A_238 = arith.constant 1 : i32
      %get3A_239 = arith.index_cast %get3A_238 : i32 to index
      %get3A_240 = arith.constant 32 : index
      %get3A_241 = tpu.vector_load %arg8[%get3A_239, %get3A_240] {strides = array<i32>} : memref<2x96xi32, #tpu.memory_space<vmem>>, vector<16xi32>,
      tpu.vector_store_idx %arg14[%get3A_241], %broadcast_in_dim3A_14 {add = true} : memref<10240xf32, #tpu.memory_space<vmem>>[vector<16xi32>], vector<16xf32>,
      %get3A_242 = arith.constant 1 : i32
      %get3A_243 = arith.index_cast %get3A_242 : i32 to index
      %get3A_244 = arith.constant 48 : index
      %get3A_245 = tpu.vector_load %arg8[%get3A_243, %get3A_244] {strides = array<i32>} : memref<2x96xi32, #tpu.memory_space<vmem>>, vector<16xi32>,
      tpu.vector_store_idx %arg14[%get3A_245], %broadcast_in_dim3A_14 {add = true} : memref<10240xf32, #tpu.memory_space<vmem>>[vector<16xi32>], vector<16xf32>,
      %get3A_246 = arith.constant 1 : i32
      %get3A_247 = arith.index_cast %get3A_246 : i32 to index
      %get3A_248 = arith.constant 64 : index
      %get3A_249 = tpu.vector_load %arg8[%get3A_247, %get3A_248] {strides = array<i32>} : memref<2x96xi32, #tpu.memory_space<vmem>>, vector<16xi32>,
      tpu.vector_store_idx %arg14[%get3A_249], %broadcast_in_dim3A_14 {add = true} : memref<10240xf32, #tpu.memory_space<vmem>>[vector<16xi32>], vector<16xf32>,
      %get3A_250 = arith.constant 1 : i32
      %get3A_251 = arith.index_cast %get3A_250 : i32 to index
      %get3A_252 = arith.constant 80 : index
      %get3A_253 = tpu.vector_load %arg8[%get3A_251, %get3A_252] {strides = array<i32>} : memref<2x96xi32, #tpu.memory_space<vmem>>, vector<16xi32>,
      tpu.vector_store_idx %arg14[%get3A_253], %broadcast_in_dim3A_14 {add = true} : memref<10240xf32, #tpu.memory_space<vmem>>[vector<16xi32>], vector<16xf32>,
      %add3A_254 = arith.constant 3 : i32
      %add3A_255 = arith.addi %add3A_223, %add3A_254 : i32
      %lt3A = arith.cmpi slt, %add3A_255, %select_n3A_11 : i32
      %convert_element_type3A = arith.extui %lt3A : i1 to i32
      %cond3A = arith.constant 0 : i32
      %cond3A_256 = arith.cmpi ne, %convert_element_type3A, %cond3A : i32
      scf.if %cond3A_256 {
        %add3A_359 = arith.constant 3 : i32
        %add3A_360 = arith.addi %add3A_223, %add3A_359 : i32
        %add3A_361 = arith.addi %select_n3A, %add3A_360 : i32
        %dma_start3A_362 = arith.constant 0 : i32
        %dma_start3A_363 = arith.constant 0 : i32
        %dma_start3A_364 = arith.constant 0 : i32
        %dma_start3A_365 = tpu.memref_slice %arg8[%dma_start3A_363, %dma_start3A_364] : memref<2x96xi32, #tpu.memory_space<vmem>> -> memref<1x96xi32, #tpu.memory_space<vmem>>
        %dma_start3A_366 = tpu.memref_squeeze %dma_start3A_365 : memref<1x96xi32, #tpu.memory_space<vmem>> -> memref<96xi32, #tpu.memory_space<vmem>>
        %dma_start3A_367 = arith.constant 0 : i32
        %dma_start3A_368 = tpu.memref_slice %arg3[%dma_start3A_362, %add3A_361, %dma_start3A_367] : memref<2x3360x96xi32, #tpu.memory_space<hbm>> -> memref<1x1x96xi32, #tpu.memory_space<hbm>>
        %dma_start3A_369 = tpu.memref_squeeze %dma_start3A_368 : memref<1x1x96xi32, #tpu.memory_space<hbm>> -> memref<96xi32, #tpu.memory_space<hbm>>
        %dma_start3A_370 = arith.constant 0 : i32
        %dma_start3A_371 = tpu.memref_slice %arg8[%dma_start3A_363, %dma_start3A_370] : memref<2x96xi32, #tpu.memory_space<vmem>> -> memref<1x96xi32, #tpu.memory_space<vmem>>
        %dma_start3A_372 = tpu.memref_squeeze %dma_start3A_371 : memref<1x96xi32, #tpu.memory_space<vmem>> -> memref<96xi32, #tpu.memory_space<vmem>>
        %dma_start3A_373 = arith.constant 0 : i32
        %dma_start3A_374 = tpu.memref_slice %arg3[%dma_start3A_362, %add3A_361, %dma_start3A_373] : memref<2x3360x96xi32, #tpu.memory_space<hbm>> -> memref<1x1x96xi32, #tpu.memory_space<hbm>>
        %dma_start3A_375 = tpu.memref_squeeze %dma_start3A_374 : memref<1x1x96xi32, #tpu.memory_space<hbm>> -> memref<96xi32, #tpu.memory_space<hbm>>
        tpu.enqueue_dma source(%dma_start3A_375 : memref<96xi32, #tpu.memory_space<hbm>>) target(%dma_start3A_372 : memref<96xi32, #tpu.memory_space<vmem>>) target_semaphore(%arg16 : memref<!tpu.dma_semaphore, #tpu.memory_space<semaphore_mem>>)
        %add3A_376 = arith.addi %select_n3A, %add3A_360 : i32
        %dma_start3A_377 = arith.constant 1 : i32
        %dma_start3A_378 = arith.constant 1 : i32
        %dma_start3A_379 = arith.constant 0 : i32
        %dma_start3A_380 = tpu.memref_slice %arg8[%dma_start3A_378, %dma_start3A_379] : memref<2x96xi32, #tpu.memory_space<vmem>> -> memref<1x96xi32, #tpu.memory_space<vmem>>
        %dma_start3A_381 = tpu.memref_squeeze %dma_start3A_380 : memref<1x96xi32, #tpu.memory_space<vmem>> -> memref<96xi32, #tpu.memory_space<vmem>>
        %dma_start3A_382 = arith.constant 0 : i32
        %dma_start3A_383 = tpu.memref_slice %arg3[%dma_start3A_377, %add3A_376, %dma_start3A_382] : memref<2x3360x96xi32, #tpu.memory_space<hbm>> -> memref<1x1x96xi32, #tpu.memory_space<hbm>>
        %dma_start3A_384 = tpu.memref_squeeze %dma_start3A_383 : memref<1x1x96xi32, #tpu.memory_space<hbm>> -> memref<96xi32, #tpu.memory_space<hbm>>
        %dma_start3A_385 = arith.constant 0 : i32
        %dma_start3A_386 = tpu.memref_slice %arg8[%dma_start3A_378, %dma_start3A_385] : memref<2x96xi32, #tpu.memory_space<vmem>> -> memref<1x96xi32, #tpu.memory_space<vmem>>
        %dma_start3A_387 = tpu.memref_squeeze %dma_start3A_386 : memref<1x96xi32, #tpu.memory_space<vmem>> -> memref<96xi32, #tpu.memory_space<vmem>>
        %dma_start3A_388 = arith.constant 0 : i32
        %dma_start3A_389 = tpu.memref_slice %arg3[%dma_start3A_377, %add3A_376, %dma_start3A_388] : memref<2x3360x96xi32, #tpu.memory_space<hbm>> -> memref<1x1x96xi32, #tpu.memory_space<hbm>>
        %dma_start3A_390 = tpu.memref_squeeze %dma_start3A_389 : memref<1x1x96xi32, #tpu.memory_space<hbm>> -> memref<96xi32, #tpu.memory_space<hbm>>
        tpu.enqueue_dma source(%dma_start3A_390 : memref<96xi32, #tpu.memory_space<hbm>>) target(%dma_start3A_387 : memref<96xi32, #tpu.memory_space<vmem>>) target_semaphore(%arg16 : memref<!tpu.dma_semaphore, #tpu.memory_space<semaphore_mem>>)
      } else {
      }
      %add3A_257 = arith.constant 2 : i32
      %add3A_258 = arith.addi %add3A_223, %add3A_257 : i32
      %lt3A_259 = arith.cmpi slt, %add3A_258, %select_n3A_11 : i32
      %convert_element_type3A_260 = arith.extui %lt3A_259 : i1 to i32
      %cond3A_261 = arith.constant 0 : i32
      %cond3A_262 = arith.cmpi ne, %convert_element_type3A_260, %cond3A_261 : i32
      scf.if %cond3A_262 {
        %add3A_359 = arith.constant 2 : i32
        %add3A_360 = arith.addi %add3A_223, %add3A_359 : i32
        %add3A_361 = arith.addi %select_n3A, %add3A_360 : i32
        %dma_wait3A_362 = arith.constant 0 : i32
        %dma_wait3A_363 = arith.constant 0 : i32
        %dma_wait3A_364 = arith.constant 0 : i32
        %dma_wait3A_365 = tpu.memref_slice %arg10[%dma_wait3A_363, %dma_wait3A_364] : memref<2x96xi32, #tpu.memory_space<vmem>> -> memref<1x96xi32, #tpu.memory_space<vmem>>
        %dma_wait3A_366 = tpu.memref_squeeze %dma_wait3A_365 : memref<1x96xi32, #tpu.memory_space<vmem>> -> memref<96xi32, #tpu.memory_space<vmem>>
        %dma_wait3A_367 = arith.constant 0 : i32
        %dma_wait3A_368 = tpu.memref_slice %arg3[%dma_wait3A_362, %add3A_361, %dma_wait3A_367] : memref<2x3360x96xi32, #tpu.memory_space<hbm>> -> memref<1x1x96xi32, #tpu.memory_space<hbm>>
        %dma_wait3A_369 = tpu.memref_squeeze %dma_wait3A_368 : memref<1x1x96xi32, #tpu.memory_space<hbm>> -> memref<96xi32, #tpu.memory_space<hbm>>
        %dma_wait3A_370 = arith.constant 0 : i32
        %dma_wait3A_371 = tpu.memref_slice %arg10[%dma_wait3A_363, %dma_wait3A_370] : memref<2x96xi32, #tpu.memory_space<vmem>> -> memref<1x96xi32, #tpu.memory_space<vmem>>
        %dma_wait3A_372 = tpu.memref_squeeze %dma_wait3A_371 : memref<1x96xi32, #tpu.memory_space<vmem>> -> memref<96xi32, #tpu.memory_space<vmem>>
        %dma_wait3A_373 = arith.constant 0 : i32
        %dma_wait3A_374 = tpu.memref_slice %arg3[%dma_wait3A_362, %add3A_361, %dma_wait3A_373] : memref<2x3360x96xi32, #tpu.memory_space<hbm>> -> memref<1x1x96xi32, #tpu.memory_space<hbm>>
        %dma_wait3A_375 = tpu.memref_squeeze %dma_wait3A_374 : memref<1x1x96xi32, #tpu.memory_space<hbm>> -> memref<96xi32, #tpu.memory_space<hbm>>
        tpu.wait_dma2 semaphore(%arg18 : memref<!tpu.dma_semaphore, #tpu.memory_space<semaphore_mem>>) src(%dma_wait3A_375 : memref<96xi32, #tpu.memory_space<hbm>>) dst(%dma_wait3A_372 : memref<96xi32, #tpu.memory_space<vmem>>)
        %add3A_376 = arith.addi %select_n3A, %add3A_360 : i32
        %dma_wait3A_377 = arith.constant 1 : i32
        %dma_wait3A_378 = arith.constant 1 : i32
        %dma_wait3A_379 = arith.constant 0 : i32
        %dma_wait3A_380 = tpu.memref_slice %arg10[%dma_wait3A_378, %dma_wait3A_379] : memref<2x96xi32, #tpu.memory_space<vmem>> -> memref<1x96xi32, #tpu.memory_space<vmem>>
        %dma_wait3A_381 = tpu.memref_squeeze %dma_wait3A_380 : memref<1x96xi32, #tpu.memory_space<vmem>> -> memref<96xi32, #tpu.memory_space<vmem>>
        %dma_wait3A_382 = arith.constant 0 : i32
        %dma_wait3A_383 = tpu.memref_slice %arg3[%dma_wait3A_377, %add3A_376, %dma_wait3A_382] : memref<2x3360x96xi32, #tpu.memory_space<hbm>> -> memref<1x1x96xi32, #tpu.memory_space<hbm>>
        %dma_wait3A_384 = tpu.memref_squeeze %dma_wait3A_383 : memref<1x1x96xi32, #tpu.memory_space<hbm>> -> memref<96xi32, #tpu.memory_space<hbm>>
        %dma_wait3A_385 = arith.constant 0 : i32
        %dma_wait3A_386 = tpu.memref_slice %arg10[%dma_wait3A_378, %dma_wait3A_385] : memref<2x96xi32, #tpu.memory_space<vmem>> -> memref<1x96xi32, #tpu.memory_space<vmem>>
        %dma_wait3A_387 = tpu.memref_squeeze %dma_wait3A_386 : memref<1x96xi32, #tpu.memory_space<vmem>> -> memref<96xi32, #tpu.memory_space<vmem>>
        %dma_wait3A_388 = arith.constant 0 : i32
        %dma_wait3A_389 = tpu.memref_slice %arg3[%dma_wait3A_377, %add3A_376, %dma_wait3A_388] : memref<2x3360x96xi32, #tpu.memory_space<hbm>> -> memref<1x1x96xi32, #tpu.memory_space<hbm>>
        %dma_wait3A_390 = tpu.memref_squeeze %dma_wait3A_389 : memref<1x1x96xi32, #tpu.memory_space<hbm>> -> memref<96xi32, #tpu.memory_space<hbm>>
        tpu.wait_dma2 semaphore(%arg18 : memref<!tpu.dma_semaphore, #tpu.memory_space<semaphore_mem>>) src(%dma_wait3A_390 : memref<96xi32, #tpu.memory_space<hbm>>) dst(%dma_wait3A_387 : memref<96xi32, #tpu.memory_space<vmem>>)
        %dma_start3A_391 = arith.constant 0 : i32
        %dma_start3A_392 = arith.constant 0 : i32
        %dma_start3A_393 = tpu.memref_slice %arg10[%dma_start3A_391, %dma_start3A_392] : memref<2x96xi32, #tpu.memory_space<vmem>> -> memref<1x96xi32, #tpu.memory_space<vmem>>
        %dma_start3A_394 = tpu.memref_squeeze %dma_start3A_393 : memref<1x96xi32, #tpu.memory_space<vmem>> -> memref<96xi32, #tpu.memory_space<vmem>>
        %dma_start3A_395 = arith.constant 0 : i32
        %dma_start3A_396 = arith.constant 0 : i32
        %dma_start3A_397 = tpu.memref_slice %arg2[%dma_start3A_395, %dma_start3A_396] : memref<20000x128xf32, #tpu.memory_space<hbm>> -> memref<20000x128xf32, #tpu.memory_space<hbm>>
        tpu.enqueue_indirect_dma source(%dma_start3A_397 : memref<20000x128xf32, #tpu.memory_space<hbm>>) target(%arg13 : memref<96x128xf32, #tpu.memory_space<vmem>>) offsets(%dma_start3A_394 : memref<96xi32, #tpu.memory_space<vmem>>) semaphore(%arg21 : memref<!tpu.dma_semaphore, #tpu.memory_space<semaphore_mem>>)
      } else {
      }
      %mul3A_263 = arith.constant 3 : i32
      %mul3A_264 = arith.muli %while3A_219, %mul3A_263 : i32
      %add3A_265 = arith.constant 1 : i32
      %add3A_266 = arith.addi %mul3A_264, %add3A_265 : i32
      %dma_wait3A_267 = arith.constant 0 : i32
      %dma_wait3A_268 = arith.constant 0 : i32
      %dma_wait3A_269 = tpu.memref_slice %arg9[%dma_wait3A_267, %dma_wait3A_268] : memref<2x96xi32, #tpu.memory_space<vmem>> -> memref<1x96xi32, #tpu.memory_space<vmem>>
      %dma_wait3A_270 = tpu.memref_squeeze %dma_wait3A_269 : memref<1x96xi32, #tpu.memory_space<vmem>> -> memref<96xi32, #tpu.memory_space<vmem>>
      %dma_wait3A_271 = arith.constant 0 : i32
      %dma_wait3A_272 = arith.constant 0 : i32
      %dma_wait3A_273 = tpu.memref_slice %arg2[%dma_wait3A_271, %dma_wait3A_272] : memref<20000x128xf32, #tpu.memory_space<hbm>> -> memref<20000x128xf32, #tpu.memory_space<hbm>>
      tpu.wait_indirect_dma semaphore(%arg20 : memref<!tpu.dma_semaphore, #tpu.memory_space<semaphore_mem>>) src(%dma_wait3A_273 : memref<20000x128xf32, #tpu.memory_space<hbm>>) dst(%arg12 : memref<96x128xf32, #tpu.memory_space<vmem>>)
      %run_scoped3A_274 = arith.constant 1 : i32
      "tpu.region"() ({
        %run_scoped3A_359 = tpu.sem_alloc : memref<!tpu.dma_semaphore, #tpu.memory_space<semaphore_mem>>
        %dma_start3A_360 = arith.constant 0 : i32
        %dma_start3A_361 = tpu.memref_slice %arg9[%run_scoped3A_274, %dma_start3A_360] : memref<2x96xi32, #tpu.memory_space<vmem>> -> memref<1x96xi32, #tpu.memory_space<vmem>>
        %dma_start3A_362 = tpu.memref_squeeze %dma_start3A_361 : memref<1x96xi32, #tpu.memory_space<vmem>> -> memref<96xi32, #tpu.memory_space<vmem>>
        %dma_start3A_363 = arith.constant 0 : i32
        %dma_start3A_364 = arith.constant 0 : i32
        %dma_start3A_365 = tpu.memref_slice %arg15[%dma_start3A_363, %dma_start3A_364] : memref<10240x128xf32, #tpu.memory_space<vmem_shared>> -> memref<10240x128xf32, #tpu.memory_space<vmem_shared>>
        tpu.enqueue_indirect_dma source(%arg12 : memref<96x128xf32, #tpu.memory_space<vmem>>) target(%dma_start3A_365 : memref<10240x128xf32, #tpu.memory_space<vmem_shared>>) offsets(%dma_start3A_362 : memref<96xi32, #tpu.memory_space<vmem>>) semaphore(%run_scoped3A_359 : memref<!tpu.dma_semaphore, #tpu.memory_space<semaphore_mem>>) {add = true}
        %dma_wait3A_366 = arith.constant 0 : i32
        %dma_wait3A_367 = tpu.memref_slice %arg9[%run_scoped3A_274, %dma_wait3A_366] : memref<2x96xi32, #tpu.memory_space<vmem>> -> memref<1x96xi32, #tpu.memory_space<vmem>>
        %dma_wait3A_368 = tpu.memref_squeeze %dma_wait3A_367 : memref<1x96xi32, #tpu.memory_space<vmem>> -> memref<96xi32, #tpu.memory_space<vmem>>
        %dma_wait3A_369 = arith.constant 0 : i32
        %dma_wait3A_370 = arith.constant 0 : i32
        %dma_wait3A_371 = tpu.memref_slice %arg15[%dma_wait3A_369, %dma_wait3A_370] : memref<10240x128xf32, #tpu.memory_space<vmem_shared>> -> memref<10240x128xf32, #tpu.memory_space<vmem_shared>>
        tpu.wait_indirect_dma semaphore(%run_scoped3A_359 : memref<!tpu.dma_semaphore, #tpu.memory_space<semaphore_mem>>) src(%arg12 : memref<96x128xf32, #tpu.memory_space<vmem>>) dst(%dma_wait3A_371 : memref<10240x128xf32, #tpu.memory_space<vmem_shared>>)
        tpu.yield
      }) : () -> ()
      %get3A_275 = arith.constant 1 : i32
      %get3A_276 = arith.index_cast %get3A_275 : i32 to index
      %get3A_277 = arith.constant 0 : index
      %get3A_278 = tpu.vector_load %arg9[%get3A_276, %get3A_277] {strides = array<i32>} : memref<2x96xi32, #tpu.memory_space<vmem>>, vector<16xi32>,
      tpu.vector_store_idx %arg14[%get3A_278], %broadcast_in_dim3A_14 {add = true} : memref<10240xf32, #tpu.memory_space<vmem>>[vector<16xi32>], vector<16xf32>,
      %get3A_279 = arith.constant 1 : i32
      %get3A_280 = arith.index_cast %get3A_279 : i32 to index
      %get3A_281 = arith.constant 16 : index
      %get3A_282 = tpu.vector_load %arg9[%get3A_280, %get3A_281] {strides = array<i32>} : memref<2x96xi32, #tpu.memory_space<vmem>>, vector<16xi32>,
      tpu.vector_store_idx %arg14[%get3A_282], %broadcast_in_dim3A_14 {add = true} : memref<10240xf32, #tpu.memory_space<vmem>>[vector<16xi32>], vector<16xf32>,
      %get3A_283 = arith.constant 1 : i32
      %get3A_284 = arith.index_cast %get3A_283 : i32 to index
      %get3A_285 = arith.constant 32 : index
      %get3A_286 = tpu.vector_load %arg9[%get3A_284, %get3A_285] {strides = array<i32>} : memref<2x96xi32, #tpu.memory_space<vmem>>, vector<16xi32>,
      tpu.vector_store_idx %arg14[%get3A_286], %broadcast_in_dim3A_14 {add = true} : memref<10240xf32, #tpu.memory_space<vmem>>[vector<16xi32>], vector<16xf32>,
      %get3A_287 = arith.constant 1 : i32
      %get3A_288 = arith.index_cast %get3A_287 : i32 to index
      %get3A_289 = arith.constant 48 : index
      %get3A_290 = tpu.vector_load %arg9[%get3A_288, %get3A_289] {strides = array<i32>} : memref<2x96xi32, #tpu.memory_space<vmem>>, vector<16xi32>,
      tpu.vector_store_idx %arg14[%get3A_290], %broadcast_in_dim3A_14 {add = true} : memref<10240xf32, #tpu.memory_space<vmem>>[vector<16xi32>], vector<16xf32>,
      %get3A_291 = arith.constant 1 : i32
      %get3A_292 = arith.index_cast %get3A_291 : i32 to index
      %get3A_293 = arith.constant 64 : index
      %get3A_294 = tpu.vector_load %arg9[%get3A_292, %get3A_293] {strides = array<i32>} : memref<2x96xi32, #tpu.memory_space<vmem>>, vector<16xi32>,
      tpu.vector_store_idx %arg14[%get3A_294], %broadcast_in_dim3A_14 {add = true} : memref<10240xf32, #tpu.memory_space<vmem>>[vector<16xi32>], vector<16xf32>,
      %get3A_295 = arith.constant 1 : i32
      %get3A_296 = arith.index_cast %get3A_295 : i32 to index
      %get3A_297 = arith.constant 80 : index
      %get3A_298 = tpu.vector_load %arg9[%get3A_296, %get3A_297] {strides = array<i32>} : memref<2x96xi32, #tpu.memory_space<vmem>>, vector<16xi32>,
      tpu.vector_store_idx %arg14[%get3A_298], %broadcast_in_dim3A_14 {add = true} : memref<10240xf32, #tpu.memory_space<vmem>>[vector<16xi32>], vector<16xf32>,
      %add3A_299 = arith.constant 3 : i32
      %add3A_300 = arith.addi %add3A_266, %add3A_299 : i32
      %lt3A_301 = arith.cmpi slt, %add3A_300, %select_n3A_11 : i32
      %convert_element_type3A_302 = arith.extui %lt3A_301 : i1 to i32
      %cond3A_303 = arith.constant 0 : i32
      %cond3A_304 = arith.cmpi ne, %convert_element_type3A_302, %cond3A_303 : i32
      scf.if %cond3A_304 {
        %add3A_359 = arith.constant 3 : i32
        %add3A_360 = arith.addi %add3A_266, %add3A_359 : i32
        %add3A_361 = arith.addi %select_n3A, %add3A_360 : i32
        %dma_start3A_362 = arith.constant 0 : i32
        %dma_start3A_363 = arith.constant 0 : i32
        %dma_start3A_364 = arith.constant 0 : i32
        %dma_start3A_365 = tpu.memref_slice %arg9[%dma_start3A_363, %dma_start3A_364] : memref<2x96xi32, #tpu.memory_space<vmem>> -> memref<1x96xi32, #tpu.memory_space<vmem>>
        %dma_start3A_366 = tpu.memref_squeeze %dma_start3A_365 : memref<1x96xi32, #tpu.memory_space<vmem>> -> memref<96xi32, #tpu.memory_space<vmem>>
        %dma_start3A_367 = arith.constant 0 : i32
        %dma_start3A_368 = tpu.memref_slice %arg3[%dma_start3A_362, %add3A_361, %dma_start3A_367] : memref<2x3360x96xi32, #tpu.memory_space<hbm>> -> memref<1x1x96xi32, #tpu.memory_space<hbm>>
        %dma_start3A_369 = tpu.memref_squeeze %dma_start3A_368 : memref<1x1x96xi32, #tpu.memory_space<hbm>> -> memref<96xi32, #tpu.memory_space<hbm>>
        %dma_start3A_370 = arith.constant 0 : i32
        %dma_start3A_371 = tpu.memref_slice %arg9[%dma_start3A_363, %dma_start3A_370] : memref<2x96xi32, #tpu.memory_space<vmem>> -> memref<1x96xi32, #tpu.memory_space<vmem>>
        %dma_start3A_372 = tpu.memref_squeeze %dma_start3A_371 : memref<1x96xi32, #tpu.memory_space<vmem>> -> memref<96xi32, #tpu.memory_space<vmem>>
        %dma_start3A_373 = arith.constant 0 : i32
        %dma_start3A_374 = tpu.memref_slice %arg3[%dma_start3A_362, %add3A_361, %dma_start3A_373] : memref<2x3360x96xi32, #tpu.memory_space<hbm>> -> memref<1x1x96xi32, #tpu.memory_space<hbm>>
        %dma_start3A_375 = tpu.memref_squeeze %dma_start3A_374 : memref<1x1x96xi32, #tpu.memory_space<hbm>> -> memref<96xi32, #tpu.memory_space<hbm>>
        tpu.enqueue_dma source(%dma_start3A_375 : memref<96xi32, #tpu.memory_space<hbm>>) target(%dma_start3A_372 : memref<96xi32, #tpu.memory_space<vmem>>) target_semaphore(%arg17 : memref<!tpu.dma_semaphore, #tpu.memory_space<semaphore_mem>>)
        %add3A_376 = arith.addi %select_n3A, %add3A_360 : i32
        %dma_start3A_377 = arith.constant 1 : i32
        %dma_start3A_378 = arith.constant 1 : i32
        %dma_start3A_379 = arith.constant 0 : i32
        %dma_start3A_380 = tpu.memref_slice %arg9[%dma_start3A_378, %dma_start3A_379] : memref<2x96xi32, #tpu.memory_space<vmem>> -> memref<1x96xi32, #tpu.memory_space<vmem>>
        %dma_start3A_381 = tpu.memref_squeeze %dma_start3A_380 : memref<1x96xi32, #tpu.memory_space<vmem>> -> memref<96xi32, #tpu.memory_space<vmem>>
        %dma_start3A_382 = arith.constant 0 : i32
        %dma_start3A_383 = tpu.memref_slice %arg3[%dma_start3A_377, %add3A_376, %dma_start3A_382] : memref<2x3360x96xi32, #tpu.memory_space<hbm>> -> memref<1x1x96xi32, #tpu.memory_space<hbm>>
        %dma_start3A_384 = tpu.memref_squeeze %dma_start3A_383 : memref<1x1x96xi32, #tpu.memory_space<hbm>> -> memref<96xi32, #tpu.memory_space<hbm>>
        %dma_start3A_385 = arith.constant 0 : i32
        %dma_start3A_386 = tpu.memref_slice %arg9[%dma_start3A_378, %dma_start3A_385] : memref<2x96xi32, #tpu.memory_space<vmem>> -> memref<1x96xi32, #tpu.memory_space<vmem>>
        %dma_start3A_387 = tpu.memref_squeeze %dma_start3A_386 : memref<1x96xi32, #tpu.memory_space<vmem>> -> memref<96xi32, #tpu.memory_space<vmem>>
        %dma_start3A_388 = arith.constant 0 : i32
        %dma_start3A_389 = tpu.memref_slice %arg3[%dma_start3A_377, %add3A_376, %dma_start3A_388] : memref<2x3360x96xi32, #tpu.memory_space<hbm>> -> memref<1x1x96xi32, #tpu.memory_space<hbm>>
        %dma_start3A_390 = tpu.memref_squeeze %dma_start3A_389 : memref<1x1x96xi32, #tpu.memory_space<hbm>> -> memref<96xi32, #tpu.memory_space<hbm>>
        tpu.enqueue_dma source(%dma_start3A_390 : memref<96xi32, #tpu.memory_space<hbm>>) target(%dma_start3A_387 : memref<96xi32, #tpu.memory_space<vmem>>) target_semaphore(%arg17 : memref<!tpu.dma_semaphore, #tpu.memory_space<semaphore_mem>>)
      } else {
      }
      %add3A_305 = arith.constant 2 : i32
      %add3A_306 = arith.addi %add3A_266, %add3A_305 : i32
      %lt3A_307 = arith.cmpi slt, %add3A_306, %select_n3A_11 : i32
      %convert_element_type3A_308 = arith.extui %lt3A_307 : i1 to i32
      %cond3A_309 = arith.constant 0 : i32
      %cond3A_310 = arith.cmpi ne, %convert_element_type3A_308, %cond3A_309 : i32
      scf.if %cond3A_310 {
        %add3A_359 = arith.constant 2 : i32
        %add3A_360 = arith.addi %add3A_266, %add3A_359 : i32
        %add3A_361 = arith.addi %select_n3A, %add3A_360 : i32
        %dma_wait3A_362 = arith.constant 0 : i32
        %dma_wait3A_363 = arith.constant 0 : i32
        %dma_wait3A_364 = arith.constant 0 : i32
        %dma_wait3A_365 = tpu.memref_slice %arg8[%dma_wait3A_363, %dma_wait3A_364] : memref<2x96xi32, #tpu.memory_space<vmem>> -> memref<1x96xi32, #tpu.memory_space<vmem>>
        %dma_wait3A_366 = tpu.memref_squeeze %dma_wait3A_365 : memref<1x96xi32, #tpu.memory_space<vmem>> -> memref<96xi32, #tpu.memory_space<vmem>>
        %dma_wait3A_367 = arith.constant 0 : i32
        %dma_wait3A_368 = tpu.memref_slice %arg3[%dma_wait3A_362, %add3A_361, %dma_wait3A_367] : memref<2x3360x96xi32, #tpu.memory_space<hbm>> -> memref<1x1x96xi32, #tpu.memory_space<hbm>>
        %dma_wait3A_369 = tpu.memref_squeeze %dma_wait3A_368 : memref<1x1x96xi32, #tpu.memory_space<hbm>> -> memref<96xi32, #tpu.memory_space<hbm>>
        %dma_wait3A_370 = arith.constant 0 : i32
        %dma_wait3A_371 = tpu.memref_slice %arg8[%dma_wait3A_363, %dma_wait3A_370] : memref<2x96xi32, #tpu.memory_space<vmem>> -> memref<1x96xi32, #tpu.memory_space<vmem>>
        %dma_wait3A_372 = tpu.memref_squeeze %dma_wait3A_371 : memref<1x96xi32, #tpu.memory_space<vmem>> -> memref<96xi32, #tpu.memory_space<vmem>>
        %dma_wait3A_373 = arith.constant 0 : i32
        %dma_wait3A_374 = tpu.memref_slice %arg3[%dma_wait3A_362, %add3A_361, %dma_wait3A_373] : memref<2x3360x96xi32, #tpu.memory_space<hbm>> -> memref<1x1x96xi32, #tpu.memory_space<hbm>>
        %dma_wait3A_375 = tpu.memref_squeeze %dma_wait3A_374 : memref<1x1x96xi32, #tpu.memory_space<hbm>> -> memref<96xi32, #tpu.memory_space<hbm>>
        tpu.wait_dma2 semaphore(%arg16 : memref<!tpu.dma_semaphore, #tpu.memory_space<semaphore_mem>>) src(%dma_wait3A_375 : memref<96xi32, #tpu.memory_space<hbm>>) dst(%dma_wait3A_372 : memref<96xi32, #tpu.memory_space<vmem>>)
        %add3A_376 = arith.addi %select_n3A, %add3A_360 : i32
        %dma_wait3A_377 = arith.constant 1 : i32
        %dma_wait3A_378 = arith.constant 1 : i32
        %dma_wait3A_379 = arith.constant 0 : i32
        %dma_wait3A_380 = tpu.memref_slice %arg8[%dma_wait3A_378, %dma_wait3A_379] : memref<2x96xi32, #tpu.memory_space<vmem>> -> memref<1x96xi32, #tpu.memory_space<vmem>>
        %dma_wait3A_381 = tpu.memref_squeeze %dma_wait3A_380 : memref<1x96xi32, #tpu.memory_space<vmem>> -> memref<96xi32, #tpu.memory_space<vmem>>
        %dma_wait3A_382 = arith.constant 0 : i32
        %dma_wait3A_383 = tpu.memref_slice %arg3[%dma_wait3A_377, %add3A_376, %dma_wait3A_382] : memref<2x3360x96xi32, #tpu.memory_space<hbm>> -> memref<1x1x96xi32, #tpu.memory_space<hbm>>
        %dma_wait3A_384 = tpu.memref_squeeze %dma_wait3A_383 : memref<1x1x96xi32, #tpu.memory_space<hbm>> -> memref<96xi32, #tpu.memory_space<hbm>>
        %dma_wait3A_385 = arith.constant 0 : i32
        %dma_wait3A_386 = tpu.memref_slice %arg8[%dma_wait3A_378, %dma_wait3A_385] : memref<2x96xi32, #tpu.memory_space<vmem>> -> memref<1x96xi32, #tpu.memory_space<vmem>>
        %dma_wait3A_387 = tpu.memref_squeeze %dma_wait3A_386 : memref<1x96xi32, #tpu.memory_space<vmem>> -> memref<96xi32, #tpu.memory_space<vmem>>
        %dma_wait3A_388 = arith.constant 0 : i32
        %dma_wait3A_389 = tpu.memref_slice %arg3[%dma_wait3A_377, %add3A_376, %dma_wait3A_388] : memref<2x3360x96xi32, #tpu.memory_space<hbm>> -> memref<1x1x96xi32, #tpu.memory_space<hbm>>
        %dma_wait3A_390 = tpu.memref_squeeze %dma_wait3A_389 : memref<1x1x96xi32, #tpu.memory_space<hbm>> -> memref<96xi32, #tpu.memory_space<hbm>>
        tpu.wait_dma2 semaphore(%arg16 : memref<!tpu.dma_semaphore, #tpu.memory_space<semaphore_mem>>) src(%dma_wait3A_390 : memref<96xi32, #tpu.memory_space<hbm>>) dst(%dma_wait3A_387 : memref<96xi32, #tpu.memory_space<vmem>>)
        %dma_start3A_391 = arith.constant 0 : i32
        %dma_start3A_392 = arith.constant 0 : i32
        %dma_start3A_393 = tpu.memref_slice %arg8[%dma_start3A_391, %dma_start3A_392] : memref<2x96xi32, #tpu.memory_space<vmem>> -> memref<1x96xi32, #tpu.memory_space<vmem>>
        %dma_start3A_394 = tpu.memref_squeeze %dma_start3A_393 : memref<1x96xi32, #tpu.memory_space<vmem>> -> memref<96xi32, #tpu.memory_space<vmem>>
        %dma_start3A_395 = arith.constant 0 : i32
        %dma_start3A_396 = arith.constant 0 : i32
        %dma_start3A_397 = tpu.memref_slice %arg2[%dma_start3A_395, %dma_start3A_396] : memref<20000x128xf32, #tpu.memory_space<hbm>> -> memref<20000x128xf32, #tpu.memory_space<hbm>>
        tpu.enqueue_indirect_dma source(%dma_start3A_397 : memref<20000x128xf32, #tpu.memory_space<hbm>>) target(%arg11 : memref<96x128xf32, #tpu.memory_space<vmem>>) offsets(%dma_start3A_394 : memref<96xi32, #tpu.memory_space<vmem>>) semaphore(%arg19 : memref<!tpu.dma_semaphore, #tpu.memory_space<semaphore_mem>>)
      } else {
      }
      %mul3A_311 = arith.constant 3 : i32
      %mul3A_312 = arith.muli %while3A_219, %mul3A_311 : i32
      %add3A_313 = arith.constant 2 : i32
      %add3A_314 = arith.addi %mul3A_312, %add3A_313 : i32
      %dma_wait3A_315 = arith.constant 0 : i32
      %dma_wait3A_316 = arith.constant 0 : i32
      %dma_wait3A_317 = tpu.memref_slice %arg10[%dma_wait3A_315, %dma_wait3A_316] : memref<2x96xi32, #tpu.memory_space<vmem>> -> memref<1x96xi32, #tpu.memory_space<vmem>>
      %dma_wait3A_318 = tpu.memref_squeeze %dma_wait3A_317 : memref<1x96xi32, #tpu.memory_space<vmem>> -> memref<96xi32, #tpu.memory_space<vmem>>
      %dma_wait3A_319 = arith.constant 0 : i32
      %dma_wait3A_320 = arith.constant 0 : i32
      %dma_wait3A_321 = tpu.memref_slice %arg2[%dma_wait3A_319, %dma_wait3A_320] : memref<20000x128xf32, #tpu.memory_space<hbm>> -> memref<20000x128xf32, #tpu.memory_space<hbm>>
      tpu.wait_indirect_dma semaphore(%arg21 : memref<!tpu.dma_semaphore, #tpu.memory_space<semaphore_mem>>) src(%dma_wait3A_321 : memref<20000x128xf32, #tpu.memory_space<hbm>>) dst(%arg13 : memref<96x128xf32, #tpu.memory_space<vmem>>)
      %run_scoped3A_322 = arith.constant 1 : i32
      "tpu.region"() ({
        %run_scoped3A_359 = tpu.sem_alloc : memref<!tpu.dma_semaphore, #tpu.memory_space<semaphore_mem>>
        %dma_start3A_360 = arith.constant 0 : i32
        %dma_start3A_361 = tpu.memref_slice %arg10[%run_scoped3A_322, %dma_start3A_360] : memref<2x96xi32, #tpu.memory_space<vmem>> -> memref<1x96xi32, #tpu.memory_space<vmem>>
        %dma_start3A_362 = tpu.memref_squeeze %dma_start3A_361 : memref<1x96xi32, #tpu.memory_space<vmem>> -> memref<96xi32, #tpu.memory_space<vmem>>
        %dma_start3A_363 = arith.constant 0 : i32
        %dma_start3A_364 = arith.constant 0 : i32
        %dma_start3A_365 = tpu.memref_slice %arg15[%dma_start3A_363, %dma_start3A_364] : memref<10240x128xf32, #tpu.memory_space<vmem_shared>> -> memref<10240x128xf32, #tpu.memory_space<vmem_shared>>
        tpu.enqueue_indirect_dma source(%arg13 : memref<96x128xf32, #tpu.memory_space<vmem>>) target(%dma_start3A_365 : memref<10240x128xf32, #tpu.memory_space<vmem_shared>>) offsets(%dma_start3A_362 : memref<96xi32, #tpu.memory_space<vmem>>) semaphore(%run_scoped3A_359 : memref<!tpu.dma_semaphore, #tpu.memory_space<semaphore_mem>>) {add = true}
        %dma_wait3A_366 = arith.constant 0 : i32
        %dma_wait3A_367 = tpu.memref_slice %arg10[%run_scoped3A_322, %dma_wait3A_366] : memref<2x96xi32, #tpu.memory_space<vmem>> -> memref<1x96xi32, #tpu.memory_space<vmem>>
        %dma_wait3A_368 = tpu.memref_squeeze %dma_wait3A_367 : memref<1x96xi32, #tpu.memory_space<vmem>> -> memref<96xi32, #tpu.memory_space<vmem>>
        %dma_wait3A_369 = arith.constant 0 : i32
        %dma_wait3A_370 = arith.constant 0 : i32
        %dma_wait3A_371 = tpu.memref_slice %arg15[%dma_wait3A_369, %dma_wait3A_370] : memref<10240x128xf32, #tpu.memory_space<vmem_shared>> -> memref<10240x128xf32, #tpu.memory_space<vmem_shared>>
        tpu.wait_indirect_dma semaphore(%run_scoped3A_359 : memref<!tpu.dma_semaphore, #tpu.memory_space<semaphore_mem>>) src(%arg13 : memref<96x128xf32, #tpu.memory_space<vmem>>) dst(%dma_wait3A_371 : memref<10240x128xf32, #tpu.memory_space<vmem_shared>>)
        tpu.yield
      }) : () -> ()
      %get3A_323 = arith.constant 1 : i32
      %get3A_324 = arith.index_cast %get3A_323 : i32 to index
      %get3A_325 = arith.constant 0 : index
      %get3A_326 = tpu.vector_load %arg10[%get3A_324, %get3A_325] {strides = array<i32>} : memref<2x96xi32, #tpu.memory_space<vmem>>, vector<16xi32>,
      tpu.vector_store_idx %arg14[%get3A_326], %broadcast_in_dim3A_14 {add = true} : memref<10240xf32, #tpu.memory_space<vmem>>[vector<16xi32>], vector<16xf32>,
      %get3A_327 = arith.constant 1 : i32
      %get3A_328 = arith.index_cast %get3A_327 : i32 to index
      %get3A_329 = arith.constant 16 : index
      %get3A_330 = tpu.vector_load %arg10[%get3A_328, %get3A_329] {strides = array<i32>} : memref<2x96xi32, #tpu.memory_space<vmem>>, vector<16xi32>,
      tpu.vector_store_idx %arg14[%get3A_330], %broadcast_in_dim3A_14 {add = true} : memref<10240xf32, #tpu.memory_space<vmem>>[vector<16xi32>], vector<16xf32>,
      %get3A_331 = arith.constant 1 : i32
      %get3A_332 = arith.index_cast %get3A_331 : i32 to index
      %get3A_333 = arith.constant 32 : index
      %get3A_334 = tpu.vector_load %arg10[%get3A_332, %get3A_333] {strides = array<i32>} : memref<2x96xi32, #tpu.memory_space<vmem>>, vector<16xi32>,
      tpu.vector_store_idx %arg14[%get3A_334], %broadcast_in_dim3A_14 {add = true} : memref<10240xf32, #tpu.memory_space<vmem>>[vector<16xi32>], vector<16xf32>,
      %get3A_335 = arith.constant 1 : i32
      %get3A_336 = arith.index_cast %get3A_335 : i32 to index
      %get3A_337 = arith.constant 48 : index
      %get3A_338 = tpu.vector_load %arg10[%get3A_336, %get3A_337] {strides = array<i32>} : memref<2x96xi32, #tpu.memory_space<vmem>>, vector<16xi32>,
      tpu.vector_store_idx %arg14[%get3A_338], %broadcast_in_dim3A_14 {add = true} : memref<10240xf32, #tpu.memory_space<vmem>>[vector<16xi32>], vector<16xf32>,
      %get3A_339 = arith.constant 1 : i32
      %get3A_340 = arith.index_cast %get3A_339 : i32 to index
      %get3A_341 = arith.constant 64 : index
      %get3A_342 = tpu.vector_load %arg10[%get3A_340, %get3A_341] {strides = array<i32>} : memref<2x96xi32, #tpu.memory_space<vmem>>, vector<16xi32>,
      tpu.vector_store_idx %arg14[%get3A_342], %broadcast_in_dim3A_14 {add = true} : memref<10240xf32, #tpu.memory_space<vmem>>[vector<16xi32>], vector<16xf32>,
      %get3A_343 = arith.constant 1 : i32
      %get3A_344 = arith.index_cast %get3A_343 : i32 to index
      %get3A_345 = arith.constant 80 : index
      %get3A_346 = tpu.vector_load %arg10[%get3A_344, %get3A_345] {strides = array<i32>} : memref<2x96xi32, #tpu.memory_space<vmem>>, vector<16xi32>,
      tpu.vector_store_idx %arg14[%get3A_346], %broadcast_in_dim3A_14 {add = true} : memref<10240xf32, #tpu.memory_space<vmem>>[vector<16xi32>], vector<16xf32>,
      %add3A_347 = arith.constant 3 : i32
      %add3A_348 = arith.addi %add3A_314, %add3A_347 : i32
      %lt3A_349 = arith.cmpi slt, %add3A_348, %select_n3A_11 : i32
      %convert_element_type3A_350 = arith.extui %lt3A_349 : i1 to i32
      %cond3A_351 = arith.constant 0 : i32
      %cond3A_352 = arith.cmpi ne, %convert_element_type3A_350, %cond3A_351 : i32
      scf.if %cond3A_352 {
        %add3A_359 = arith.constant 3 : i32
        %add3A_360 = arith.addi %add3A_314, %add3A_359 : i32
        %add3A_361 = arith.addi %select_n3A, %add3A_360 : i32
        %dma_start3A_362 = arith.constant 0 : i32
        %dma_start3A_363 = arith.constant 0 : i32
        %dma_start3A_364 = arith.constant 0 : i32
        %dma_start3A_365 = tpu.memref_slice %arg10[%dma_start3A_363, %dma_start3A_364] : memref<2x96xi32, #tpu.memory_space<vmem>> -> memref<1x96xi32, #tpu.memory_space<vmem>>
        %dma_start3A_366 = tpu.memref_squeeze %dma_start3A_365 : memref<1x96xi32, #tpu.memory_space<vmem>> -> memref<96xi32, #tpu.memory_space<vmem>>
        %dma_start3A_367 = arith.constant 0 : i32
        %dma_start3A_368 = tpu.memref_slice %arg3[%dma_start3A_362, %add3A_361, %dma_start3A_367] : memref<2x3360x96xi32, #tpu.memory_space<hbm>> -> memref<1x1x96xi32, #tpu.memory_space<hbm>>
        %dma_start3A_369 = tpu.memref_squeeze %dma_start3A_368 : memref<1x1x96xi32, #tpu.memory_space<hbm>> -> memref<96xi32, #tpu.memory_space<hbm>>
        %dma_start3A_370 = arith.constant 0 : i32
        %dma_start3A_371 = tpu.memref_slice %arg10[%dma_start3A_363, %dma_start3A_370] : memref<2x96xi32, #tpu.memory_space<vmem>> -> memref<1x96xi32, #tpu.memory_space<vmem>>
        %dma_start3A_372 = tpu.memref_squeeze %dma_start3A_371 : memref<1x96xi32, #tpu.memory_space<vmem>> -> memref<96xi32, #tpu.memory_space<vmem>>
        %dma_start3A_373 = arith.constant 0 : i32
        %dma_start3A_374 = tpu.memref_slice %arg3[%dma_start3A_362, %add3A_361, %dma_start3A_373] : memref<2x3360x96xi32, #tpu.memory_space<hbm>> -> memref<1x1x96xi32, #tpu.memory_space<hbm>>
        %dma_start3A_375 = tpu.memref_squeeze %dma_start3A_374 : memref<1x1x96xi32, #tpu.memory_space<hbm>> -> memref<96xi32, #tpu.memory_space<hbm>>
        tpu.enqueue_dma source(%dma_start3A_375 : memref<96xi32, #tpu.memory_space<hbm>>) target(%dma_start3A_372 : memref<96xi32, #tpu.memory_space<vmem>>) target_semaphore(%arg18 : memref<!tpu.dma_semaphore, #tpu.memory_space<semaphore_mem>>)
        %add3A_376 = arith.addi %select_n3A, %add3A_360 : i32
        %dma_start3A_377 = arith.constant 1 : i32
        %dma_start3A_378 = arith.constant 1 : i32
        %dma_start3A_379 = arith.constant 0 : i32
        %dma_start3A_380 = tpu.memref_slice %arg10[%dma_start3A_378, %dma_start3A_379] : memref<2x96xi32, #tpu.memory_space<vmem>> -> memref<1x96xi32, #tpu.memory_space<vmem>>
        %dma_start3A_381 = tpu.memref_squeeze %dma_start3A_380 : memref<1x96xi32, #tpu.memory_space<vmem>> -> memref<96xi32, #tpu.memory_space<vmem>>
        %dma_start3A_382 = arith.constant 0 : i32
        %dma_start3A_383 = tpu.memref_slice %arg3[%dma_start3A_377, %add3A_376, %dma_start3A_382] : memref<2x3360x96xi32, #tpu.memory_space<hbm>> -> memref<1x1x96xi32, #tpu.memory_space<hbm>>
        %dma_start3A_384 = tpu.memref_squeeze %dma_start3A_383 : memref<1x1x96xi32, #tpu.memory_space<hbm>> -> memref<96xi32, #tpu.memory_space<hbm>>
        %dma_start3A_385 = arith.constant 0 : i32
        %dma_start3A_386 = tpu.memref_slice %arg10[%dma_start3A_378, %dma_start3A_385] : memref<2x96xi32, #tpu.memory_space<vmem>> -> memref<1x96xi32, #tpu.memory_space<vmem>>
        %dma_start3A_387 = tpu.memref_squeeze %dma_start3A_386 : memref<1x96xi32, #tpu.memory_space<vmem>> -> memref<96xi32, #tpu.memory_space<vmem>>
        %dma_start3A_388 = arith.constant 0 : i32
        %dma_start3A_389 = tpu.memref_slice %arg3[%dma_start3A_377, %add3A_376, %dma_start3A_388] : memref<2x3360x96xi32, #tpu.memory_space<hbm>> -> memref<1x1x96xi32, #tpu.memory_space<hbm>>
        %dma_start3A_390 = tpu.memref_squeeze %dma_start3A_389 : memref<1x1x96xi32, #tpu.memory_space<hbm>> -> memref<96xi32, #tpu.memory_space<hbm>>
        tpu.enqueue_dma source(%dma_start3A_390 : memref<96xi32, #tpu.memory_space<hbm>>) target(%dma_start3A_387 : memref<96xi32, #tpu.memory_space<vmem>>) target_semaphore(%arg18 : memref<!tpu.dma_semaphore, #tpu.memory_space<semaphore_mem>>)
      } else {
      }
      %add3A_353 = arith.constant 2 : i32
      %add3A_354 = arith.addi %add3A_314, %add3A_353 : i32
      %lt3A_355 = arith.cmpi slt, %add3A_354, %select_n3A_11 : i32
      %convert_element_type3A_356 = arith.extui %lt3A_355 : i1 to i32
      %cond3A_357 = arith.constant 0 : i32
      %cond3A_358 = arith.cmpi ne, %convert_element_type3A_356, %cond3A_357 : i32
      scf.if %cond3A_358 {
        %add3A_359 = arith.constant 2 : i32
        %add3A_360 = arith.addi %add3A_314, %add3A_359 : i32
        %add3A_361 = arith.addi %select_n3A, %add3A_360 : i32
        %dma_wait3A_362 = arith.constant 0 : i32
        %dma_wait3A_363 = arith.constant 0 : i32
        %dma_wait3A_364 = arith.constant 0 : i32
        %dma_wait3A_365 = tpu.memref_slice %arg9[%dma_wait3A_363, %dma_wait3A_364] : memref<2x96xi32, #tpu.memory_space<vmem>> -> memref<1x96xi32, #tpu.memory_space<vmem>>
        %dma_wait3A_366 = tpu.memref_squeeze %dma_wait3A_365 : memref<1x96xi32, #tpu.memory_space<vmem>> -> memref<96xi32, #tpu.memory_space<vmem>>
        %dma_wait3A_367 = arith.constant 0 : i32
        %dma_wait3A_368 = tpu.memref_slice %arg3[%dma_wait3A_362, %add3A_361, %dma_wait3A_367] : memref<2x3360x96xi32, #tpu.memory_space<hbm>> -> memref<1x1x96xi32, #tpu.memory_space<hbm>>
        %dma_wait3A_369 = tpu.memref_squeeze %dma_wait3A_368 : memref<1x1x96xi32, #tpu.memory_space<hbm>> -> memref<96xi32, #tpu.memory_space<hbm>>
        %dma_wait3A_370 = arith.constant 0 : i32
        %dma_wait3A_371 = tpu.memref_slice %arg9[%dma_wait3A_363, %dma_wait3A_370] : memref<2x96xi32, #tpu.memory_space<vmem>> -> memref<1x96xi32, #tpu.memory_space<vmem>>
        %dma_wait3A_372 = tpu.memref_squeeze %dma_wait3A_371 : memref<1x96xi32, #tpu.memory_space<vmem>> -> memref<96xi32, #tpu.memory_space<vmem>>
        %dma_wait3A_373 = arith.constant 0 : i32
        %dma_wait3A_374 = tpu.memref_slice %arg3[%dma_wait3A_362, %add3A_361, %dma_wait3A_373] : memref<2x3360x96xi32, #tpu.memory_space<hbm>> -> memref<1x1x96xi32, #tpu.memory_space<hbm>>
        %dma_wait3A_375 = tpu.memref_squeeze %dma_wait3A_374 : memref<1x1x96xi32, #tpu.memory_space<hbm>> -> memref<96xi32, #tpu.memory_space<hbm>>
        tpu.wait_dma2 semaphore(%arg17 : memref<!tpu.dma_semaphore, #tpu.memory_space<semaphore_mem>>) src(%dma_wait3A_375 : memref<96xi32, #tpu.memory_space<hbm>>) dst(%dma_wait3A_372 : memref<96xi32, #tpu.memory_space<vmem>>)
        %add3A_376 = arith.addi %select_n3A, %add3A_360 : i32
        %dma_wait3A_377 = arith.constant 1 : i32
        %dma_wait3A_378 = arith.constant 1 : i32
        %dma_wait3A_379 = arith.constant 0 : i32
        %dma_wait3A_380 = tpu.memref_slice %arg9[%dma_wait3A_378, %dma_wait3A_379] : memref<2x96xi32, #tpu.memory_space<vmem>> -> memref<1x96xi32, #tpu.memory_space<vmem>>
        %dma_wait3A_381 = tpu.memref_squeeze %dma_wait3A_380 : memref<1x96xi32, #tpu.memory_space<vmem>> -> memref<96xi32, #tpu.memory_space<vmem>>
        %dma_wait3A_382 = arith.constant 0 : i32
        %dma_wait3A_383 = tpu.memref_slice %arg3[%dma_wait3A_377, %add3A_376, %dma_wait3A_382] : memref<2x3360x96xi32, #tpu.memory_space<hbm>> -> memref<1x1x96xi32, #tpu.memory_space<hbm>>
        %dma_wait3A_384 = tpu.memref_squeeze %dma_wait3A_383 : memref<1x1x96xi32, #tpu.memory_space<hbm>> -> memref<96xi32, #tpu.memory_space<hbm>>
        %dma_wait3A_385 = arith.constant 0 : i32
        %dma_wait3A_386 = tpu.memref_slice %arg9[%dma_wait3A_378, %dma_wait3A_385] : memref<2x96xi32, #tpu.memory_space<vmem>> -> memref<1x96xi32, #tpu.memory_space<vmem>>
        %dma_wait3A_387 = tpu.memref_squeeze %dma_wait3A_386 : memref<1x96xi32, #tpu.memory_space<vmem>> -> memref<96xi32, #tpu.memory_space<vmem>>
        %dma_wait3A_388 = arith.constant 0 : i32
        %dma_wait3A_389 = tpu.memref_slice %arg3[%dma_wait3A_377, %add3A_376, %dma_wait3A_388] : memref<2x3360x96xi32, #tpu.memory_space<hbm>> -> memref<1x1x96xi32, #tpu.memory_space<hbm>>
        %dma_wait3A_390 = tpu.memref_squeeze %dma_wait3A_389 : memref<1x1x96xi32, #tpu.memory_space<hbm>> -> memref<96xi32, #tpu.memory_space<hbm>>
        tpu.wait_dma2 semaphore(%arg17 : memref<!tpu.dma_semaphore, #tpu.memory_space<semaphore_mem>>) src(%dma_wait3A_390 : memref<96xi32, #tpu.memory_space<hbm>>) dst(%dma_wait3A_387 : memref<96xi32, #tpu.memory_space<vmem>>)
        %dma_start3A_391 = arith.constant 0 : i32
        %dma_start3A_392 = arith.constant 0 : i32
        %dma_start3A_393 = tpu.memref_slice %arg9[%dma_start3A_391, %dma_start3A_392] : memref<2x96xi32, #tpu.memory_space<vmem>> -> memref<1x96xi32, #tpu.memory_space<vmem>>
        %dma_start3A_394 = tpu.memref_squeeze %dma_start3A_393 : memref<1x96xi32, #tpu.memory_space<vmem>> -> memref<96xi32, #tpu.memory_space<vmem>>
        %dma_start3A_395 = arith.constant 0 : i32
        %dma_start3A_396 = arith.constant 0 : i32
        %dma_start3A_397 = tpu.memref_slice %arg2[%dma_start3A_395, %dma_start3A_396] : memref<20000x128xf32, #tpu.memory_space<hbm>> -> memref<20000x128xf32, #tpu.memory_space<hbm>>
        tpu.enqueue_indirect_dma source(%dma_start3A_397 : memref<20000x128xf32, #tpu.memory_space<hbm>>) target(%arg12 : memref<96x128xf32, #tpu.memory_space<vmem>>) offsets(%dma_start3A_394 : memref<96xi32, #tpu.memory_space<vmem>>) semaphore(%arg20 : memref<!tpu.dma_semaphore, #tpu.memory_space<semaphore_mem>>)
      } else {
      }
    }
    %while3A_213 = arith.constant 1 : i32
    scf.for %while3A_219 = %while3A_211 to %while3A_207 step %while3A_213  : i32 {
      %mul3A_220 = arith.constant 3 : i32
      %mul3A_221 = arith.muli %while3A_219, %mul3A_220 : i32
      %add3A_222 = arith.constant 0 : i32
      %add3A_223 = arith.addi %mul3A_221, %add3A_222 : i32
      %dma_wait3A_224 = arith.constant 0 : i32
      %dma_wait3A_225 = arith.constant 0 : i32
      %dma_wait3A_226 = tpu.memref_slice %arg8[%dma_wait3A_224, %dma_wait3A_225] : memref<2x96xi32, #tpu.memory_space<vmem>> -> memref<1x96xi32, #tpu.memory_space<vmem>>
      %dma_wait3A_227 = tpu.memref_squeeze %dma_wait3A_226 : memref<1x96xi32, #tpu.memory_space<vmem>> -> memref<96xi32, #tpu.memory_space<vmem>>
      %dma_wait3A_228 = arith.constant 0 : i32
      %dma_wait3A_229 = arith.constant 0 : i32
      %dma_wait3A_230 = tpu.memref_slice %arg2[%dma_wait3A_228, %dma_wait3A_229] : memref<20000x128xf32, #tpu.memory_space<hbm>> -> memref<20000x128xf32, #tpu.memory_space<hbm>>
      tpu.wait_indirect_dma semaphore(%arg19 : memref<!tpu.dma_semaphore, #tpu.memory_space<semaphore_mem>>) src(%dma_wait3A_230 : memref<20000x128xf32, #tpu.memory_space<hbm>>) dst(%arg11 : memref<96x128xf32, #tpu.memory_space<vmem>>)
      %run_scoped3A = arith.constant 1 : i32
      "tpu.region"() ({
        %run_scoped3A_359 = tpu.sem_alloc : memref<!tpu.dma_semaphore, #tpu.memory_space<semaphore_mem>>
        %dma_start3A_360 = arith.constant 0 : i32
        %dma_start3A_361 = tpu.memref_slice %arg8[%run_scoped3A, %dma_start3A_360] : memref<2x96xi32, #tpu.memory_space<vmem>> -> memref<1x96xi32, #tpu.memory_space<vmem>>
        %dma_start3A_362 = tpu.memref_squeeze %dma_start3A_361 : memref<1x96xi32, #tpu.memory_space<vmem>> -> memref<96xi32, #tpu.memory_space<vmem>>
        %dma_start3A_363 = arith.constant 0 : i32
        %dma_start3A_364 = arith.constant 0 : i32
        %dma_start3A_365 = tpu.memref_slice %arg15[%dma_start3A_363, %dma_start3A_364] : memref<10240x128xf32, #tpu.memory_space<vmem_shared>> -> memref<10240x128xf32, #tpu.memory_space<vmem_shared>>
        tpu.enqueue_indirect_dma source(%arg11 : memref<96x128xf32, #tpu.memory_space<vmem>>) target(%dma_start3A_365 : memref<10240x128xf32, #tpu.memory_space<vmem_shared>>) offsets(%dma_start3A_362 : memref<96xi32, #tpu.memory_space<vmem>>) semaphore(%run_scoped3A_359 : memref<!tpu.dma_semaphore, #tpu.memory_space<semaphore_mem>>) {add = true}
        %dma_wait3A_366 = arith.constant 0 : i32
        %dma_wait3A_367 = tpu.memref_slice %arg8[%run_scoped3A, %dma_wait3A_366] : memref<2x96xi32, #tpu.memory_space<vmem>> -> memref<1x96xi32, #tpu.memory_space<vmem>>
        %dma_wait3A_368 = tpu.memref_squeeze %dma_wait3A_367 : memref<1x96xi32, #tpu.memory_space<vmem>> -> memref<96xi32, #tpu.memory_space<vmem>>
        %dma_wait3A_369 = arith.constant 0 : i32
        %dma_wait3A_370 = arith.constant 0 : i32
        %dma_wait3A_371 = tpu.memref_slice %arg15[%dma_wait3A_369, %dma_wait3A_370] : memref<10240x128xf32, #tpu.memory_space<vmem_shared>> -> memref<10240x128xf32, #tpu.memory_space<vmem_shared>>
        tpu.wait_indirect_dma semaphore(%run_scoped3A_359 : memref<!tpu.dma_semaphore, #tpu.memory_space<semaphore_mem>>) src(%arg11 : memref<96x128xf32, #tpu.memory_space<vmem>>) dst(%dma_wait3A_371 : memref<10240x128xf32, #tpu.memory_space<vmem_shared>>)
        tpu.yield
      }) : () -> ()
      %get3A = arith.constant 1 : i32
      %get3A_231 = arith.index_cast %get3A : i32 to index
      %get3A_232 = arith.constant 0 : index
      %get3A_233 = tpu.vector_load %arg8[%get3A_231, %get3A_232] {strides = array<i32>} : memref<2x96xi32, #tpu.memory_space<vmem>>, vector<16xi32>,
      tpu.vector_store_idx %arg14[%get3A_233], %broadcast_in_dim3A_14 {add = true} : memref<10240xf32, #tpu.memory_space<vmem>>[vector<16xi32>], vector<16xf32>,
      %get3A_234 = arith.constant 1 : i32
      %get3A_235 = arith.index_cast %get3A_234 : i32 to index
      %get3A_236 = arith.constant 16 : index
      %get3A_237 = tpu.vector_load %arg8[%get3A_235, %get3A_236] {strides = array<i32>} : memref<2x96xi32, #tpu.memory_space<vmem>>, vector<16xi32>,
      tpu.vector_store_idx %arg14[%get3A_237], %broadcast_in_dim3A_14 {add = true} : memref<10240xf32, #tpu.memory_space<vmem>>[vector<16xi32>], vector<16xf32>,
      %get3A_238 = arith.constant 1 : i32
      %get3A_239 = arith.index_cast %get3A_238 : i32 to index
      %get3A_240 = arith.constant 32 : index
      %get3A_241 = tpu.vector_load %arg8[%get3A_239, %get3A_240] {strides = array<i32>} : memref<2x96xi32, #tpu.memory_space<vmem>>, vector<16xi32>,
      tpu.vector_store_idx %arg14[%get3A_241], %broadcast_in_dim3A_14 {add = true} : memref<10240xf32, #tpu.memory_space<vmem>>[vector<16xi32>], vector<16xf32>,
      %get3A_242 = arith.constant 1 : i32
      %get3A_243 = arith.index_cast %get3A_242 : i32 to index
      %get3A_244 = arith.constant 48 : index
      %get3A_245 = tpu.vector_load %arg8[%get3A_243, %get3A_244] {strides = array<i32>} : memref<2x96xi32, #tpu.memory_space<vmem>>, vector<16xi32>,
      tpu.vector_store_idx %arg14[%get3A_245], %broadcast_in_dim3A_14 {add = true} : memref<10240xf32, #tpu.memory_space<vmem>>[vector<16xi32>], vector<16xf32>,
      %get3A_246 = arith.constant 1 : i32
      %get3A_247 = arith.index_cast %get3A_246 : i32 to index
      %get3A_248 = arith.constant 64 : index
      %get3A_249 = tpu.vector_load %arg8[%get3A_247, %get3A_248] {strides = array<i32>} : memref<2x96xi32, #tpu.memory_space<vmem>>, vector<16xi32>,
      tpu.vector_store_idx %arg14[%get3A_249], %broadcast_in_dim3A_14 {add = true} : memref<10240xf32, #tpu.memory_space<vmem>>[vector<16xi32>], vector<16xf32>,
      %get3A_250 = arith.constant 1 : i32
      %get3A_251 = arith.index_cast %get3A_250 : i32 to index
      %get3A_252 = arith.constant 80 : index
      %get3A_253 = tpu.vector_load %arg8[%get3A_251, %get3A_252] {strides = array<i32>} : memref<2x96xi32, #tpu.memory_space<vmem>>, vector<16xi32>,
      tpu.vector_store_idx %arg14[%get3A_253], %broadcast_in_dim3A_14 {add = true} : memref<10240xf32, #tpu.memory_space<vmem>>[vector<16xi32>], vector<16xf32>,
      %add3A_254 = arith.constant 3 : i32
      %add3A_255 = arith.addi %add3A_223, %add3A_254 : i32
      %lt3A = arith.cmpi slt, %add3A_255, %select_n3A_11 : i32
      %convert_element_type3A = arith.extui %lt3A : i1 to i32
      %cond3A = arith.constant 0 : i32
      %cond3A_256 = arith.cmpi ne, %convert_element_type3A, %cond3A : i32
      scf.if %cond3A_256 {
        %add3A_359 = arith.constant 3 : i32
        %add3A_360 = arith.addi %add3A_223, %add3A_359 : i32
        %add3A_361 = arith.addi %select_n3A, %add3A_360 : i32
        %dma_start3A_362 = arith.constant 0 : i32
        %dma_start3A_363 = arith.constant 0 : i32
        %dma_start3A_364 = arith.constant 0 : i32
        %dma_start3A_365 = tpu.memref_slice %arg8[%dma_start3A_363, %dma_start3A_364] : memref<2x96xi32, #tpu.memory_space<vmem>> -> memref<1x96xi32, #tpu.memory_space<vmem>>
        %dma_start3A_366 = tpu.memref_squeeze %dma_start3A_365 : memref<1x96xi32, #tpu.memory_space<vmem>> -> memref<96xi32, #tpu.memory_space<vmem>>
        %dma_start3A_367 = arith.constant 0 : i32
        %dma_start3A_368 = tpu.memref_slice %arg3[%dma_start3A_362, %add3A_361, %dma_start3A_367] : memref<2x3360x96xi32, #tpu.memory_space<hbm>> -> memref<1x1x96xi32, #tpu.memory_space<hbm>>
        %dma_start3A_369 = tpu.memref_squeeze %dma_start3A_368 : memref<1x1x96xi32, #tpu.memory_space<hbm>> -> memref<96xi32, #tpu.memory_space<hbm>>
        %dma_start3A_370 = arith.constant 0 : i32
        %dma_start3A_371 = tpu.memref_slice %arg8[%dma_start3A_363, %dma_start3A_370] : memref<2x96xi32, #tpu.memory_space<vmem>> -> memref<1x96xi32, #tpu.memory_space<vmem>>
        %dma_start3A_372 = tpu.memref_squeeze %dma_start3A_371 : memref<1x96xi32, #tpu.memory_space<vmem>> -> memref<96xi32, #tpu.memory_space<vmem>>
        %dma_start3A_373 = arith.constant 0 : i32
        %dma_start3A_374 = tpu.memref_slice %arg3[%dma_start3A_362, %add3A_361, %dma_start3A_373] : memref<2x3360x96xi32, #tpu.memory_space<hbm>> -> memref<1x1x96xi32, #tpu.memory_space<hbm>>
        %dma_start3A_375 = tpu.memref_squeeze %dma_start3A_374 : memref<1x1x96xi32, #tpu.memory_space<hbm>> -> memref<96xi32, #tpu.memory_space<hbm>>
        tpu.enqueue_dma source(%dma_start3A_375 : memref<96xi32, #tpu.memory_space<hbm>>) target(%dma_start3A_372 : memref<96xi32, #tpu.memory_space<vmem>>) target_semaphore(%arg16 : memref<!tpu.dma_semaphore, #tpu.memory_space<semaphore_mem>>)
        %add3A_376 = arith.addi %select_n3A, %add3A_360 : i32
        %dma_start3A_377 = arith.constant 1 : i32
        %dma_start3A_378 = arith.constant 1 : i32
        %dma_start3A_379 = arith.constant 0 : i32
        %dma_start3A_380 = tpu.memref_slice %arg8[%dma_start3A_378, %dma_start3A_379] : memref<2x96xi32, #tpu.memory_space<vmem>> -> memref<1x96xi32, #tpu.memory_space<vmem>>
        %dma_start3A_381 = tpu.memref_squeeze %dma_start3A_380 : memref<1x96xi32, #tpu.memory_space<vmem>> -> memref<96xi32, #tpu.memory_space<vmem>>
        %dma_start3A_382 = arith.constant 0 : i32
        %dma_start3A_383 = tpu.memref_slice %arg3[%dma_start3A_377, %add3A_376, %dma_start3A_382] : memref<2x3360x96xi32, #tpu.memory_space<hbm>> -> memref<1x1x96xi32, #tpu.memory_space<hbm>>
        %dma_start3A_384 = tpu.memref_squeeze %dma_start3A_383 : memref<1x1x96xi32, #tpu.memory_space<hbm>> -> memref<96xi32, #tpu.memory_space<hbm>>
        %dma_start3A_385 = arith.constant 0 : i32
        %dma_start3A_386 = tpu.memref_slice %arg8[%dma_start3A_378, %dma_start3A_385] : memref<2x96xi32, #tpu.memory_space<vmem>> -> memref<1x96xi32, #tpu.memory_space<vmem>>
        %dma_start3A_387 = tpu.memref_squeeze %dma_start3A_386 : memref<1x96xi32, #tpu.memory_space<vmem>> -> memref<96xi32, #tpu.memory_space<vmem>>
        %dma_start3A_388 = arith.constant 0 : i32
        %dma_start3A_389 = tpu.memref_slice %arg3[%dma_start3A_377, %add3A_376, %dma_start3A_388] : memref<2x3360x96xi32, #tpu.memory_space<hbm>> -> memref<1x1x96xi32, #tpu.memory_space<hbm>>
        %dma_start3A_390 = tpu.memref_squeeze %dma_start3A_389 : memref<1x1x96xi32, #tpu.memory_space<hbm>> -> memref<96xi32, #tpu.memory_space<hbm>>
        tpu.enqueue_dma source(%dma_start3A_390 : memref<96xi32, #tpu.memory_space<hbm>>) target(%dma_start3A_387 : memref<96xi32, #tpu.memory_space<vmem>>) target_semaphore(%arg16 : memref<!tpu.dma_semaphore, #tpu.memory_space<semaphore_mem>>)
      } else {
      }
      %add3A_257 = arith.constant 2 : i32
      %add3A_258 = arith.addi %add3A_223, %add3A_257 : i32
      %lt3A_259 = arith.cmpi slt, %add3A_258, %select_n3A_11 : i32
      %convert_element_type3A_260 = arith.extui %lt3A_259 : i1 to i32
      %cond3A_261 = arith.constant 0 : i32
      %cond3A_262 = arith.cmpi ne, %convert_element_type3A_260, %cond3A_261 : i32
      scf.if %cond3A_262 {
        %add3A_359 = arith.constant 2 : i32
        %add3A_360 = arith.addi %add3A_223, %add3A_359 : i32
        %add3A_361 = arith.addi %select_n3A, %add3A_360 : i32
        %dma_wait3A_362 = arith.constant 0 : i32
        %dma_wait3A_363 = arith.constant 0 : i32
        %dma_wait3A_364 = arith.constant 0 : i32
        %dma_wait3A_365 = tpu.memref_slice %arg10[%dma_wait3A_363, %dma_wait3A_364] : memref<2x96xi32, #tpu.memory_space<vmem>> -> memref<1x96xi32, #tpu.memory_space<vmem>>
        %dma_wait3A_366 = tpu.memref_squeeze %dma_wait3A_365 : memref<1x96xi32, #tpu.memory_space<vmem>> -> memref<96xi32, #tpu.memory_space<vmem>>
        %dma_wait3A_367 = arith.constant 0 : i32
        %dma_wait3A_368 = tpu.memref_slice %arg3[%dma_wait3A_362, %add3A_361, %dma_wait3A_367] : memref<2x3360x96xi32, #tpu.memory_space<hbm>> -> memref<1x1x96xi32, #tpu.memory_space<hbm>>
        %dma_wait3A_369 = tpu.memref_squeeze %dma_wait3A_368 : memref<1x1x96xi32, #tpu.memory_space<hbm>> -> memref<96xi32, #tpu.memory_space<hbm>>
        %dma_wait3A_370 = arith.constant 0 : i32
        %dma_wait3A_371 = tpu.memref_slice %arg10[%dma_wait3A_363, %dma_wait3A_370] : memref<2x96xi32, #tpu.memory_space<vmem>> -> memref<1x96xi32, #tpu.memory_space<vmem>>
        %dma_wait3A_372 = tpu.memref_squeeze %dma_wait3A_371 : memref<1x96xi32, #tpu.memory_space<vmem>> -> memref<96xi32, #tpu.memory_space<vmem>>
        %dma_wait3A_373 = arith.constant 0 : i32
        %dma_wait3A_374 = tpu.memref_slice %arg3[%dma_wait3A_362, %add3A_361, %dma_wait3A_373] : memref<2x3360x96xi32, #tpu.memory_space<hbm>> -> memref<1x1x96xi32, #tpu.memory_space<hbm>>
        %dma_wait3A_375 = tpu.memref_squeeze %dma_wait3A_374 : memref<1x1x96xi32, #tpu.memory_space<hbm>> -> memref<96xi32, #tpu.memory_space<hbm>>
        tpu.wait_dma2 semaphore(%arg18 : memref<!tpu.dma_semaphore, #tpu.memory_space<semaphore_mem>>) src(%dma_wait3A_375 : memref<96xi32, #tpu.memory_space<hbm>>) dst(%dma_wait3A_372 : memref<96xi32, #tpu.memory_space<vmem>>)
        %add3A_376 = arith.addi %select_n3A, %add3A_360 : i32
        %dma_wait3A_377 = arith.constant 1 : i32
        %dma_wait3A_378 = arith.constant 1 : i32
        %dma_wait3A_379 = arith.constant 0 : i32
        %dma_wait3A_380 = tpu.memref_slice %arg10[%dma_wait3A_378, %dma_wait3A_379] : memref<2x96xi32, #tpu.memory_space<vmem>> -> memref<1x96xi32, #tpu.memory_space<vmem>>
        %dma_wait3A_381 = tpu.memref_squeeze %dma_wait3A_380 : memref<1x96xi32, #tpu.memory_space<vmem>> -> memref<96xi32, #tpu.memory_space<vmem>>
        %dma_wait3A_382 = arith.constant 0 : i32
        %dma_wait3A_383 = tpu.memref_slice %arg3[%dma_wait3A_377, %add3A_376, %dma_wait3A_382] : memref<2x3360x96xi32, #tpu.memory_space<hbm>> -> memref<1x1x96xi32, #tpu.memory_space<hbm>>
        %dma_wait3A_384 = tpu.memref_squeeze %dma_wait3A_383 : memref<1x1x96xi32, #tpu.memory_space<hbm>> -> memref<96xi32, #tpu.memory_space<hbm>>
        %dma_wait3A_385 = arith.constant 0 : i32
        %dma_wait3A_386 = tpu.memref_slice %arg10[%dma_wait3A_378, %dma_wait3A_385] : memref<2x96xi32, #tpu.memory_space<vmem>> -> memref<1x96xi32, #tpu.memory_space<vmem>>
        %dma_wait3A_387 = tpu.memref_squeeze %dma_wait3A_386 : memref<1x96xi32, #tpu.memory_space<vmem>> -> memref<96xi32, #tpu.memory_space<vmem>>
        %dma_wait3A_388 = arith.constant 0 : i32
        %dma_wait3A_389 = tpu.memref_slice %arg3[%dma_wait3A_377, %add3A_376, %dma_wait3A_388] : memref<2x3360x96xi32, #tpu.memory_space<hbm>> -> memref<1x1x96xi32, #tpu.memory_space<hbm>>
        %dma_wait3A_390 = tpu.memref_squeeze %dma_wait3A_389 : memref<1x1x96xi32, #tpu.memory_space<hbm>> -> memref<96xi32, #tpu.memory_space<hbm>>
        tpu.wait_dma2 semaphore(%arg18 : memref<!tpu.dma_semaphore, #tpu.memory_space<semaphore_mem>>) src(%dma_wait3A_390 : memref<96xi32, #tpu.memory_space<hbm>>) dst(%dma_wait3A_387 : memref<96xi32, #tpu.memory_space<vmem>>)
        %dma_start3A_391 = arith.constant 0 : i32
        %dma_start3A_392 = arith.constant 0 : i32
        %dma_start3A_393 = tpu.memref_slice %arg10[%dma_start3A_391, %dma_start3A_392] : memref<2x96xi32, #tpu.memory_space<vmem>> -> memref<1x96xi32, #tpu.memory_space<vmem>>
        %dma_start3A_394 = tpu.memref_squeeze %dma_start3A_393 : memref<1x96xi32, #tpu.memory_space<vmem>> -> memref<96xi32, #tpu.memory_space<vmem>>
        %dma_start3A_395 = arith.constant 0 : i32
        %dma_start3A_396 = arith.constant 0 : i32
        %dma_start3A_397 = tpu.memref_slice %arg2[%dma_start3A_395, %dma_start3A_396] : memref<20000x128xf32, #tpu.memory_space<hbm>> -> memref<20000x128xf32, #tpu.memory_space<hbm>>
        tpu.enqueue_indirect_dma source(%dma_start3A_397 : memref<20000x128xf32, #tpu.memory_space<hbm>>) target(%arg13 : memref<96x128xf32, #tpu.memory_space<vmem>>) offsets(%dma_start3A_394 : memref<96xi32, #tpu.memory_space<vmem>>) semaphore(%arg21 : memref<!tpu.dma_semaphore, #tpu.memory_space<semaphore_mem>>)
      } else {
      }
      %mul3A_263 = arith.constant 3 : i32
      %mul3A_264 = arith.muli %while3A_219, %mul3A_263 : i32
      %add3A_265 = arith.constant 1 : i32
      %add3A_266 = arith.addi %mul3A_264, %add3A_265 : i32
      %dma_wait3A_267 = arith.constant 0 : i32
      %dma_wait3A_268 = arith.constant 0 : i32
      %dma_wait3A_269 = tpu.memref_slice %arg9[%dma_wait3A_267, %dma_wait3A_268] : memref<2x96xi32, #tpu.memory_space<vmem>> -> memref<1x96xi32, #tpu.memory_space<vmem>>
      %dma_wait3A_270 = tpu.memref_squeeze %dma_wait3A_269 : memref<1x96xi32, #tpu.memory_space<vmem>> -> memref<96xi32, #tpu.memory_space<vmem>>
      %dma_wait3A_271 = arith.constant 0 : i32
      %dma_wait3A_272 = arith.constant 0 : i32
      %dma_wait3A_273 = tpu.memref_slice %arg2[%dma_wait3A_271, %dma_wait3A_272] : memref<20000x128xf32, #tpu.memory_space<hbm>> -> memref<20000x128xf32, #tpu.memory_space<hbm>>
      tpu.wait_indirect_dma semaphore(%arg20 : memref<!tpu.dma_semaphore, #tpu.memory_space<semaphore_mem>>) src(%dma_wait3A_273 : memref<20000x128xf32, #tpu.memory_space<hbm>>) dst(%arg12 : memref<96x128xf32, #tpu.memory_space<vmem>>)
      %run_scoped3A_274 = arith.constant 1 : i32
      "tpu.region"() ({
        %run_scoped3A_359 = tpu.sem_alloc : memref<!tpu.dma_semaphore, #tpu.memory_space<semaphore_mem>>
        %dma_start3A_360 = arith.constant 0 : i32
        %dma_start3A_361 = tpu.memref_slice %arg9[%run_scoped3A_274, %dma_start3A_360] : memref<2x96xi32, #tpu.memory_space<vmem>> -> memref<1x96xi32, #tpu.memory_space<vmem>>
        %dma_start3A_362 = tpu.memref_squeeze %dma_start3A_361 : memref<1x96xi32, #tpu.memory_space<vmem>> -> memref<96xi32, #tpu.memory_space<vmem>>
        %dma_start3A_363 = arith.constant 0 : i32
        %dma_start3A_364 = arith.constant 0 : i32
        %dma_start3A_365 = tpu.memref_slice %arg15[%dma_start3A_363, %dma_start3A_364] : memref<10240x128xf32, #tpu.memory_space<vmem_shared>> -> memref<10240x128xf32, #tpu.memory_space<vmem_shared>>
        tpu.enqueue_indirect_dma source(%arg12 : memref<96x128xf32, #tpu.memory_space<vmem>>) target(%dma_start3A_365 : memref<10240x128xf32, #tpu.memory_space<vmem_shared>>) offsets(%dma_start3A_362 : memref<96xi32, #tpu.memory_space<vmem>>) semaphore(%run_scoped3A_359 : memref<!tpu.dma_semaphore, #tpu.memory_space<semaphore_mem>>) {add = true}
        %dma_wait3A_366 = arith.constant 0 : i32
        %dma_wait3A_367 = tpu.memref_slice %arg9[%run_scoped3A_274, %dma_wait3A_366] : memref<2x96xi32, #tpu.memory_space<vmem>> -> memref<1x96xi32, #tpu.memory_space<vmem>>
        %dma_wait3A_368 = tpu.memref_squeeze %dma_wait3A_367 : memref<1x96xi32, #tpu.memory_space<vmem>> -> memref<96xi32, #tpu.memory_space<vmem>>
        %dma_wait3A_369 = arith.constant 0 : i32
        %dma_wait3A_370 = arith.constant 0 : i32
        %dma_wait3A_371 = tpu.memref_slice %arg15[%dma_wait3A_369, %dma_wait3A_370] : memref<10240x128xf32, #tpu.memory_space<vmem_shared>> -> memref<10240x128xf32, #tpu.memory_space<vmem_shared>>
        tpu.wait_indirect_dma semaphore(%run_scoped3A_359 : memref<!tpu.dma_semaphore, #tpu.memory_space<semaphore_mem>>) src(%arg12 : memref<96x128xf32, #tpu.memory_space<vmem>>) dst(%dma_wait3A_371 : memref<10240x128xf32, #tpu.memory_space<vmem_shared>>)
        tpu.yield
      }) : () -> ()
      %get3A_275 = arith.constant 1 : i32
      %get3A_276 = arith.index_cast %get3A_275 : i32 to index
      %get3A_277 = arith.constant 0 : index
      %get3A_278 = tpu.vector_load %arg9[%get3A_276, %get3A_277] {strides = array<i32>} : memref<2x96xi32, #tpu.memory_space<vmem>>, vector<16xi32>,
      tpu.vector_store_idx %arg14[%get3A_278], %broadcast_in_dim3A_14 {add = true} : memref<10240xf32, #tpu.memory_space<vmem>>[vector<16xi32>], vector<16xf32>,
      %get3A_279 = arith.constant 1 : i32
      %get3A_280 = arith.index_cast %get3A_279 : i32 to index
      %get3A_281 = arith.constant 16 : index
      %get3A_282 = tpu.vector_load %arg9[%get3A_280, %get3A_281] {strides = array<i32>} : memref<2x96xi32, #tpu.memory_space<vmem>>, vector<16xi32>,
      tpu.vector_store_idx %arg14[%get3A_282], %broadcast_in_dim3A_14 {add = true} : memref<10240xf32, #tpu.memory_space<vmem>>[vector<16xi32>], vector<16xf32>,
      %get3A_283 = arith.constant 1 : i32
      %get3A_284 = arith.index_cast %get3A_283 : i32 to index
      %get3A_285 = arith.constant 32 : index
      %get3A_286 = tpu.vector_load %arg9[%get3A_284, %get3A_285] {strides = array<i32>} : memref<2x96xi32, #tpu.memory_space<vmem>>, vector<16xi32>,
      tpu.vector_store_idx %arg14[%get3A_286], %broadcast_in_dim3A_14 {add = true} : memref<10240xf32, #tpu.memory_space<vmem>>[vector<16xi32>], vector<16xf32>,
      %get3A_287 = arith.constant 1 : i32
      %get3A_288 = arith.index_cast %get3A_287 : i32 to index
      %get3A_289 = arith.constant 48 : index
      %get3A_290 = tpu.vector_load %arg9[%get3A_288, %get3A_289] {strides = array<i32>} : memref<2x96xi32, #tpu.memory_space<vmem>>, vector<16xi32>,
      tpu.vector_store_idx %arg14[%get3A_290], %broadcast_in_dim3A_14 {add = true} : memref<10240xf32, #tpu.memory_space<vmem>>[vector<16xi32>], vector<16xf32>,
      %get3A_291 = arith.constant 1 : i32
      %get3A_292 = arith.index_cast %get3A_291 : i32 to index
      %get3A_293 = arith.constant 64 : index
      %get3A_294 = tpu.vector_load %arg9[%get3A_292, %get3A_293] {strides = array<i32>} : memref<2x96xi32, #tpu.memory_space<vmem>>, vector<16xi32>,
      tpu.vector_store_idx %arg14[%get3A_294], %broadcast_in_dim3A_14 {add = true} : memref<10240xf32, #tpu.memory_space<vmem>>[vector<16xi32>], vector<16xf32>,
      %get3A_295 = arith.constant 1 : i32
      %get3A_296 = arith.index_cast %get3A_295 : i32 to index
      %get3A_297 = arith.constant 80 : index
      %get3A_298 = tpu.vector_load %arg9[%get3A_296, %get3A_297] {strides = array<i32>} : memref<2x96xi32, #tpu.memory_space<vmem>>, vector<16xi32>,
      tpu.vector_store_idx %arg14[%get3A_298], %broadcast_in_dim3A_14 {add = true} : memref<10240xf32, #tpu.memory_space<vmem>>[vector<16xi32>], vector<16xf32>,
      %add3A_299 = arith.constant 3 : i32
      %add3A_300 = arith.addi %add3A_266, %add3A_299 : i32
      %lt3A_301 = arith.cmpi slt, %add3A_300, %select_n3A_11 : i32
      %convert_element_type3A_302 = arith.extui %lt3A_301 : i1 to i32
      %cond3A_303 = arith.constant 0 : i32
      %cond3A_304 = arith.cmpi ne, %convert_element_type3A_302, %cond3A_303 : i32
      scf.if %cond3A_304 {
        %add3A_359 = arith.constant 3 : i32
        %add3A_360 = arith.addi %add3A_266, %add3A_359 : i32
        %add3A_361 = arith.addi %select_n3A, %add3A_360 : i32
        %dma_start3A_362 = arith.constant 0 : i32
        %dma_start3A_363 = arith.constant 0 : i32
        %dma_start3A_364 = arith.constant 0 : i32
        %dma_start3A_365 = tpu.memref_slice %arg9[%dma_start3A_363, %dma_start3A_364] : memref<2x96xi32, #tpu.memory_space<vmem>> -> memref<1x96xi32, #tpu.memory_space<vmem>>
        %dma_start3A_366 = tpu.memref_squeeze %dma_start3A_365 : memref<1x96xi32, #tpu.memory_space<vmem>> -> memref<96xi32, #tpu.memory_space<vmem>>
        %dma_start3A_367 = arith.constant 0 : i32
        %dma_start3A_368 = tpu.memref_slice %arg3[%dma_start3A_362, %add3A_361, %dma_start3A_367] : memref<2x3360x96xi32, #tpu.memory_space<hbm>> -> memref<1x1x96xi32, #tpu.memory_space<hbm>>
        %dma_start3A_369 = tpu.memref_squeeze %dma_start3A_368 : memref<1x1x96xi32, #tpu.memory_space<hbm>> -> memref<96xi32, #tpu.memory_space<hbm>>
        %dma_start3A_370 = arith.constant 0 : i32
        %dma_start3A_371 = tpu.memref_slice %arg9[%dma_start3A_363, %dma_start3A_370] : memref<2x96xi32, #tpu.memory_space<vmem>> -> memref<1x96xi32, #tpu.memory_space<vmem>>
        %dma_start3A_372 = tpu.memref_squeeze %dma_start3A_371 : memref<1x96xi32, #tpu.memory_space<vmem>> -> memref<96xi32, #tpu.memory_space<vmem>>
        %dma_start3A_373 = arith.constant 0 : i32
        %dma_start3A_374 = tpu.memref_slice %arg3[%dma_start3A_362, %add3A_361, %dma_start3A_373] : memref<2x3360x96xi32, #tpu.memory_space<hbm>> -> memref<1x1x96xi32, #tpu.memory_space<hbm>>
        %dma_start3A_375 = tpu.memref_squeeze %dma_start3A_374 : memref<1x1x96xi32, #tpu.memory_space<hbm>> -> memref<96xi32, #tpu.memory_space<hbm>>
        tpu.enqueue_dma source(%dma_start3A_375 : memref<96xi32, #tpu.memory_space<hbm>>) target(%dma_start3A_372 : memref<96xi32, #tpu.memory_space<vmem>>) target_semaphore(%arg17 : memref<!tpu.dma_semaphore, #tpu.memory_space<semaphore_mem>>)
        %add3A_376 = arith.addi %select_n3A, %add3A_360 : i32
        %dma_start3A_377 = arith.constant 1 : i32
        %dma_start3A_378 = arith.constant 1 : i32
        %dma_start3A_379 = arith.constant 0 : i32
        %dma_start3A_380 = tpu.memref_slice %arg9[%dma_start3A_378, %dma_start3A_379] : memref<2x96xi32, #tpu.memory_space<vmem>> -> memref<1x96xi32, #tpu.memory_space<vmem>>
        %dma_start3A_381 = tpu.memref_squeeze %dma_start3A_380 : memref<1x96xi32, #tpu.memory_space<vmem>> -> memref<96xi32, #tpu.memory_space<vmem>>
        %dma_start3A_382 = arith.constant 0 : i32
        %dma_start3A_383 = tpu.memref_slice %arg3[%dma_start3A_377, %add3A_376, %dma_start3A_382] : memref<2x3360x96xi32, #tpu.memory_space<hbm>> -> memref<1x1x96xi32, #tpu.memory_space<hbm>>
        %dma_start3A_384 = tpu.memref_squeeze %dma_start3A_383 : memref<1x1x96xi32, #tpu.memory_space<hbm>> -> memref<96xi32, #tpu.memory_space<hbm>>
        %dma_start3A_385 = arith.constant 0 : i32
        %dma_start3A_386 = tpu.memref_slice %arg9[%dma_start3A_378, %dma_start3A_385] : memref<2x96xi32, #tpu.memory_space<vmem>> -> memref<1x96xi32, #tpu.memory_space<vmem>>
        %dma_start3A_387 = tpu.memref_squeeze %dma_start3A_386 : memref<1x96xi32, #tpu.memory_space<vmem>> -> memref<96xi32, #tpu.memory_space<vmem>>
        %dma_start3A_388 = arith.constant 0 : i32
        %dma_start3A_389 = tpu.memref_slice %arg3[%dma_start3A_377, %add3A_376, %dma_start3A_388] : memref<2x3360x96xi32, #tpu.memory_space<hbm>> -> memref<1x1x96xi32, #tpu.memory_space<hbm>>
        %dma_start3A_390 = tpu.memref_squeeze %dma_start3A_389 : memref<1x1x96xi32, #tpu.memory_space<hbm>> -> memref<96xi32, #tpu.memory_space<hbm>>
        tpu.enqueue_dma source(%dma_start3A_390 : memref<96xi32, #tpu.memory_space<hbm>>) target(%dma_start3A_387 : memref<96xi32, #tpu.memory_space<vmem>>) target_semaphore(%arg17 : memref<!tpu.dma_semaphore, #tpu.memory_space<semaphore_mem>>)
      } else {
      }
      %add3A_305 = arith.constant 2 : i32
      %add3A_306 = arith.addi %add3A_266, %add3A_305 : i32
      %lt3A_307 = arith.cmpi slt, %add3A_306, %select_n3A_11 : i32
      %convert_element_type3A_308 = arith.extui %lt3A_307 : i1 to i32
      %cond3A_309 = arith.constant 0 : i32
      %cond3A_310 = arith.cmpi ne, %convert_element_type3A_308, %cond3A_309 : i32
      scf.if %cond3A_310 {
        %add3A_359 = arith.constant 2 : i32
        %add3A_360 = arith.addi %add3A_266, %add3A_359 : i32
        %add3A_361 = arith.addi %select_n3A, %add3A_360 : i32
        %dma_wait3A_362 = arith.constant 0 : i32
        %dma_wait3A_363 = arith.constant 0 : i32
        %dma_wait3A_364 = arith.constant 0 : i32
        %dma_wait3A_365 = tpu.memref_slice %arg8[%dma_wait3A_363, %dma_wait3A_364] : memref<2x96xi32, #tpu.memory_space<vmem>> -> memref<1x96xi32, #tpu.memory_space<vmem>>
        %dma_wait3A_366 = tpu.memref_squeeze %dma_wait3A_365 : memref<1x96xi32, #tpu.memory_space<vmem>> -> memref<96xi32, #tpu.memory_space<vmem>>
        %dma_wait3A_367 = arith.constant 0 : i32
        %dma_wait3A_368 = tpu.memref_slice %arg3[%dma_wait3A_362, %add3A_361, %dma_wait3A_367] : memref<2x3360x96xi32, #tpu.memory_space<hbm>> -> memref<1x1x96xi32, #tpu.memory_space<hbm>>
        %dma_wait3A_369 = tpu.memref_squeeze %dma_wait3A_368 : memref<1x1x96xi32, #tpu.memory_space<hbm>> -> memref<96xi32, #tpu.memory_space<hbm>>
        %dma_wait3A_370 = arith.constant 0 : i32
        %dma_wait3A_371 = tpu.memref_slice %arg8[%dma_wait3A_363, %dma_wait3A_370] : memref<2x96xi32, #tpu.memory_space<vmem>> -> memref<1x96xi32, #tpu.memory_space<vmem>>
        %dma_wait3A_372 = tpu.memref_squeeze %dma_wait3A_371 : memref<1x96xi32, #tpu.memory_space<vmem>> -> memref<96xi32, #tpu.memory_space<vmem>>
        %dma_wait3A_373 = arith.constant 0 : i32
        %dma_wait3A_374 = tpu.memref_slice %arg3[%dma_wait3A_362, %add3A_361, %dma_wait3A_373] : memref<2x3360x96xi32, #tpu.memory_space<hbm>> -> memref<1x1x96xi32, #tpu.memory_space<hbm>>
        %dma_wait3A_375 = tpu.memref_squeeze %dma_wait3A_374 : memref<1x1x96xi32, #tpu.memory_space<hbm>> -> memref<96xi32, #tpu.memory_space<hbm>>
        tpu.wait_dma2 semaphore(%arg16 : memref<!tpu.dma_semaphore, #tpu.memory_space<semaphore_mem>>) src(%dma_wait3A_375 : memref<96xi32, #tpu.memory_space<hbm>>) dst(%dma_wait3A_372 : memref<96xi32, #tpu.memory_space<vmem>>)
        %add3A_376 = arith.addi %select_n3A, %add3A_360 : i32
        %dma_wait3A_377 = arith.constant 1 : i32
        %dma_wait3A_378 = arith.constant 1 : i32
        %dma_wait3A_379 = arith.constant 0 : i32
        %dma_wait3A_380 = tpu.memref_slice %arg8[%dma_wait3A_378, %dma_wait3A_379] : memref<2x96xi32, #tpu.memory_space<vmem>> -> memref<1x96xi32, #tpu.memory_space<vmem>>
        %dma_wait3A_381 = tpu.memref_squeeze %dma_wait3A_380 : memref<1x96xi32, #tpu.memory_space<vmem>> -> memref<96xi32, #tpu.memory_space<vmem>>
        %dma_wait3A_382 = arith.constant 0 : i32
        %dma_wait3A_383 = tpu.memref_slice %arg3[%dma_wait3A_377, %add3A_376, %dma_wait3A_382] : memref<2x3360x96xi32, #tpu.memory_space<hbm>> -> memref<1x1x96xi32, #tpu.memory_space<hbm>>
        %dma_wait3A_384 = tpu.memref_squeeze %dma_wait3A_383 : memref<1x1x96xi32, #tpu.memory_space<hbm>> -> memref<96xi32, #tpu.memory_space<hbm>>
        %dma_wait3A_385 = arith.constant 0 : i32
        %dma_wait3A_386 = tpu.memref_slice %arg8[%dma_wait3A_378, %dma_wait3A_385] : memref<2x96xi32, #tpu.memory_space<vmem>> -> memref<1x96xi32, #tpu.memory_space<vmem>>
        %dma_wait3A_387 = tpu.memref_squeeze %dma_wait3A_386 : memref<1x96xi32, #tpu.memory_space<vmem>> -> memref<96xi32, #tpu.memory_space<vmem>>
        %dma_wait3A_388 = arith.constant 0 : i32
        %dma_wait3A_389 = tpu.memref_slice %arg3[%dma_wait3A_377, %add3A_376, %dma_wait3A_388] : memref<2x3360x96xi32, #tpu.memory_space<hbm>> -> memref<1x1x96xi32, #tpu.memory_space<hbm>>
        %dma_wait3A_390 = tpu.memref_squeeze %dma_wait3A_389 : memref<1x1x96xi32, #tpu.memory_space<hbm>> -> memref<96xi32, #tpu.memory_space<hbm>>
        tpu.wait_dma2 semaphore(%arg16 : memref<!tpu.dma_semaphore, #tpu.memory_space<semaphore_mem>>) src(%dma_wait3A_390 : memref<96xi32, #tpu.memory_space<hbm>>) dst(%dma_wait3A_387 : memref<96xi32, #tpu.memory_space<vmem>>)
        %dma_start3A_391 = arith.constant 0 : i32
        %dma_start3A_392 = arith.constant 0 : i32
        %dma_start3A_393 = tpu.memref_slice %arg8[%dma_start3A_391, %dma_start3A_392] : memref<2x96xi32, #tpu.memory_space<vmem>> -> memref<1x96xi32, #tpu.memory_space<vmem>>
        %dma_start3A_394 = tpu.memref_squeeze %dma_start3A_393 : memref<1x96xi32, #tpu.memory_space<vmem>> -> memref<96xi32, #tpu.memory_space<vmem>>
        %dma_start3A_395 = arith.constant 0 : i32
        %dma_start3A_396 = arith.constant 0 : i32
        %dma_start3A_397 = tpu.memref_slice %arg2[%dma_start3A_395, %dma_start3A_396] : memref<20000x128xf32, #tpu.memory_space<hbm>> -> memref<20000x128xf32, #tpu.memory_space<hbm>>
        tpu.enqueue_indirect_dma source(%dma_start3A_397 : memref<20000x128xf32, #tpu.memory_space<hbm>>) target(%arg11 : memref<96x128xf32, #tpu.memory_space<vmem>>) offsets(%dma_start3A_394 : memref<96xi32, #tpu.memory_space<vmem>>) semaphore(%arg19 : memref<!tpu.dma_semaphore, #tpu.memory_space<semaphore_mem>>)
      } else {
      }
      %mul3A_311 = arith.constant 3 : i32
      %mul3A_312 = arith.muli %while3A_219, %mul3A_311 : i32
      %add3A_313 = arith.constant 2 : i32
      %add3A_314 = arith.addi %mul3A_312, %add3A_313 : i32
      %dma_wait3A_315 = arith.constant 0 : i32
      %dma_wait3A_316 = arith.constant 0 : i32
      %dma_wait3A_317 = tpu.memref_slice %arg10[%dma_wait3A_315, %dma_wait3A_316] : memref<2x96xi32, #tpu.memory_space<vmem>> -> memref<1x96xi32, #tpu.memory_space<vmem>>
      %dma_wait3A_318 = tpu.memref_squeeze %dma_wait3A_317 : memref<1x96xi32, #tpu.memory_space<vmem>> -> memref<96xi32, #tpu.memory_space<vmem>>
      %dma_wait3A_319 = arith.constant 0 : i32
      %dma_wait3A_320 = arith.constant 0 : i32
      %dma_wait3A_321 = tpu.memref_slice %arg2[%dma_wait3A_319, %dma_wait3A_320] : memref<20000x128xf32, #tpu.memory_space<hbm>> -> memref<20000x128xf32, #tpu.memory_space<hbm>>
      tpu.wait_indirect_dma semaphore(%arg21 : memref<!tpu.dma_semaphore, #tpu.memory_space<semaphore_mem>>) src(%dma_wait3A_321 : memref<20000x128xf32, #tpu.memory_space<hbm>>) dst(%arg13 : memref<96x128xf32, #tpu.memory_space<vmem>>)
      %run_scoped3A_322 = arith.constant 1 : i32
      "tpu.region"() ({
        %run_scoped3A_359 = tpu.sem_alloc : memref<!tpu.dma_semaphore, #tpu.memory_space<semaphore_mem>>
        %dma_start3A_360 = arith.constant 0 : i32
        %dma_start3A_361 = tpu.memref_slice %arg10[%run_scoped3A_322, %dma_start3A_360] : memref<2x96xi32, #tpu.memory_space<vmem>> -> memref<1x96xi32, #tpu.memory_space<vmem>>
        %dma_start3A_362 = tpu.memref_squeeze %dma_start3A_361 : memref<1x96xi32, #tpu.memory_space<vmem>> -> memref<96xi32, #tpu.memory_space<vmem>>
        %dma_start3A_363 = arith.constant 0 : i32
        %dma_start3A_364 = arith.constant 0 : i32
        %dma_start3A_365 = tpu.memref_slice %arg15[%dma_start3A_363, %dma_start3A_364] : memref<10240x128xf32, #tpu.memory_space<vmem_shared>> -> memref<10240x128xf32, #tpu.memory_space<vmem_shared>>
        tpu.enqueue_indirect_dma source(%arg13 : memref<96x128xf32, #tpu.memory_space<vmem>>) target(%dma_start3A_365 : memref<10240x128xf32, #tpu.memory_space<vmem_shared>>) offsets(%dma_start3A_362 : memref<96xi32, #tpu.memory_space<vmem>>) semaphore(%run_scoped3A_359 : memref<!tpu.dma_semaphore, #tpu.memory_space<semaphore_mem>>) {add = true}
        %dma_wait3A_366 = arith.constant 0 : i32
        %dma_wait3A_367 = tpu.memref_slice %arg10[%run_scoped3A_322, %dma_wait3A_366] : memref<2x96xi32, #tpu.memory_space<vmem>> -> memref<1x96xi32, #tpu.memory_space<vmem>>
        %dma_wait3A_368 = tpu.memref_squeeze %dma_wait3A_367 : memref<1x96xi32, #tpu.memory_space<vmem>> -> memref<96xi32, #tpu.memory_space<vmem>>
        %dma_wait3A_369 = arith.constant 0 : i32
        %dma_wait3A_370 = arith.constant 0 : i32
        %dma_wait3A_371 = tpu.memref_slice %arg15[%dma_wait3A_369, %dma_wait3A_370] : memref<10240x128xf32, #tpu.memory_space<vmem_shared>> -> memref<10240x128xf32, #tpu.memory_space<vmem_shared>>
        tpu.wait_indirect_dma semaphore(%run_scoped3A_359 : memref<!tpu.dma_semaphore, #tpu.memory_space<semaphore_mem>>) src(%arg13 : memref<96x128xf32, #tpu.memory_space<vmem>>) dst(%dma_wait3A_371 : memref<10240x128xf32, #tpu.memory_space<vmem_shared>>)
        tpu.yield
      }) : () -> ()
      %get3A_323 = arith.constant 1 : i32
      %get3A_324 = arith.index_cast %get3A_323 : i32 to index
      %get3A_325 = arith.constant 0 : index
      %get3A_326 = tpu.vector_load %arg10[%get3A_324, %get3A_325] {strides = array<i32>} : memref<2x96xi32, #tpu.memory_space<vmem>>, vector<16xi32>,
      tpu.vector_store_idx %arg14[%get3A_326], %broadcast_in_dim3A_14 {add = true} : memref<10240xf32, #tpu.memory_space<vmem>>[vector<16xi32>], vector<16xf32>,
      %get3A_327 = arith.constant 1 : i32
      %get3A_328 = arith.index_cast %get3A_327 : i32 to index
      %get3A_329 = arith.constant 16 : index
      %get3A_330 = tpu.vector_load %arg10[%get3A_328, %get3A_329] {strides = array<i32>} : memref<2x96xi32, #tpu.memory_space<vmem>>, vector<16xi32>,
      tpu.vector_store_idx %arg14[%get3A_330], %broadcast_in_dim3A_14 {add = true} : memref<10240xf32, #tpu.memory_space<vmem>>[vector<16xi32>], vector<16xf32>,
      %get3A_331 = arith.constant 1 : i32
      %get3A_332 = arith.index_cast %get3A_331 : i32 to index
      %get3A_333 = arith.constant 32 : index
      %get3A_334 = tpu.vector_load %arg10[%get3A_332, %get3A_333] {strides = array<i32>} : memref<2x96xi32, #tpu.memory_space<vmem>>, vector<16xi32>,
      tpu.vector_store_idx %arg14[%get3A_334], %broadcast_in_dim3A_14 {add = true} : memref<10240xf32, #tpu.memory_space<vmem>>[vector<16xi32>], vector<16xf32>,
      %get3A_335 = arith.constant 1 : i32
      %get3A_336 = arith.index_cast %get3A_335 : i32 to index
      %get3A_337 = arith.constant 48 : index
      %get3A_338 = tpu.vector_load %arg10[%get3A_336, %get3A_337] {strides = array<i32>} : memref<2x96xi32, #tpu.memory_space<vmem>>, vector<16xi32>,
      tpu.vector_store_idx %arg14[%get3A_338], %broadcast_in_dim3A_14 {add = true} : memref<10240xf32, #tpu.memory_space<vmem>>[vector<16xi32>], vector<16xf32>,
      %get3A_339 = arith.constant 1 : i32
      %get3A_340 = arith.index_cast %get3A_339 : i32 to index
      %get3A_341 = arith.constant 64 : index
      %get3A_342 = tpu.vector_load %arg10[%get3A_340, %get3A_341] {strides = array<i32>} : memref<2x96xi32, #tpu.memory_space<vmem>>, vector<16xi32>,
      tpu.vector_store_idx %arg14[%get3A_342], %broadcast_in_dim3A_14 {add = true} : memref<10240xf32, #tpu.memory_space<vmem>>[vector<16xi32>], vector<16xf32>,
      %get3A_343 = arith.constant 1 : i32
      %get3A_344 = arith.index_cast %get3A_343 : i32 to index
      %get3A_345 = arith.constant 80 : index
      %get3A_346 = tpu.vector_load %arg10[%get3A_344, %get3A_345] {strides = array<i32>} : memref<2x96xi32, #tpu.memory_space<vmem>>, vector<16xi32>,
      tpu.vector_store_idx %arg14[%get3A_346], %broadcast_in_dim3A_14 {add = true} : memref<10240xf32, #tpu.memory_space<vmem>>[vector<16xi32>], vector<16xf32>,
      %add3A_347 = arith.constant 3 : i32
      %add3A_348 = arith.addi %add3A_314, %add3A_347 : i32
      %lt3A_349 = arith.cmpi slt, %add3A_348, %select_n3A_11 : i32
      %convert_element_type3A_350 = arith.extui %lt3A_349 : i1 to i32
      %cond3A_351 = arith.constant 0 : i32
      %cond3A_352 = arith.cmpi ne, %convert_element_type3A_350, %cond3A_351 : i32
      scf.if %cond3A_352 {
        %add3A_359 = arith.constant 3 : i32
        %add3A_360 = arith.addi %add3A_314, %add3A_359 : i32
        %add3A_361 = arith.addi %select_n3A, %add3A_360 : i32
        %dma_start3A_362 = arith.constant 0 : i32
        %dma_start3A_363 = arith.constant 0 : i32
        %dma_start3A_364 = arith.constant 0 : i32
        %dma_start3A_365 = tpu.memref_slice %arg10[%dma_start3A_363, %dma_start3A_364] : memref<2x96xi32, #tpu.memory_space<vmem>> -> memref<1x96xi32, #tpu.memory_space<vmem>>
        %dma_start3A_366 = tpu.memref_squeeze %dma_start3A_365 : memref<1x96xi32, #tpu.memory_space<vmem>> -> memref<96xi32, #tpu.memory_space<vmem>>
        %dma_start3A_367 = arith.constant 0 : i32
        %dma_start3A_368 = tpu.memref_slice %arg3[%dma_start3A_362, %add3A_361, %dma_start3A_367] : memref<2x3360x96xi32, #tpu.memory_space<hbm>> -> memref<1x1x96xi32, #tpu.memory_space<hbm>>
        %dma_start3A_369 = tpu.memref_squeeze %dma_start3A_368 : memref<1x1x96xi32, #tpu.memory_space<hbm>> -> memref<96xi32, #tpu.memory_space<hbm>>
        %dma_start3A_370 = arith.constant 0 : i32
        %dma_start3A_371 = tpu.memref_slice %arg10[%dma_start3A_363, %dma_start3A_370] : memref<2x96xi32, #tpu.memory_space<vmem>> -> memref<1x96xi32, #tpu.memory_space<vmem>>
        %dma_start3A_372 = tpu.memref_squeeze %dma_start3A_371 : memref<1x96xi32, #tpu.memory_space<vmem>> -> memref<96xi32, #tpu.memory_space<vmem>>
        %dma_start3A_373 = arith.constant 0 : i32
        %dma_start3A_374 = tpu.memref_slice %arg3[%dma_start3A_362, %add3A_361, %dma_start3A_373] : memref<2x3360x96xi32, #tpu.memory_space<hbm>> -> memref<1x1x96xi32, #tpu.memory_space<hbm>>
        %dma_start3A_375 = tpu.memref_squeeze %dma_start3A_374 : memref<1x1x96xi32, #tpu.memory_space<hbm>> -> memref<96xi32, #tpu.memory_space<hbm>>
        tpu.enqueue_dma source(%dma_start3A_375 : memref<96xi32, #tpu.memory_space<hbm>>) target(%dma_start3A_372 : memref<96xi32, #tpu.memory_space<vmem>>) target_semaphore(%arg18 : memref<!tpu.dma_semaphore, #tpu.memory_space<semaphore_mem>>)
        %add3A_376 = arith.addi %select_n3A, %add3A_360 : i32
        %dma_start3A_377 = arith.constant 1 : i32
        %dma_start3A_378 = arith.constant 1 : i32
        %dma_start3A_379 = arith.constant 0 : i32
        %dma_start3A_380 = tpu.memref_slice %arg10[%dma_start3A_378, %dma_start3A_379] : memref<2x96xi32, #tpu.memory_space<vmem>> -> memref<1x96xi32, #tpu.memory_space<vmem>>
        %dma_start3A_381 = tpu.memref_squeeze %dma_start3A_380 : memref<1x96xi32, #tpu.memory_space<vmem>> -> memref<96xi32, #tpu.memory_space<vmem>>
        %dma_start3A_382 = arith.constant 0 : i32
        %dma_start3A_383 = tpu.memref_slice %arg3[%dma_start3A_377, %add3A_376, %dma_start3A_382] : memref<2x3360x96xi32, #tpu.memory_space<hbm>> -> memref<1x1x96xi32, #tpu.memory_space<hbm>>
        %dma_start3A_384 = tpu.memref_squeeze %dma_start3A_383 : memref<1x1x96xi32, #tpu.memory_space<hbm>> -> memref<96xi32, #tpu.memory_space<hbm>>
        %dma_start3A_385 = arith.constant 0 : i32
        %dma_start3A_386 = tpu.memref_slice %arg10[%dma_start3A_378, %dma_start3A_385] : memref<2x96xi32, #tpu.memory_space<vmem>> -> memref<1x96xi32, #tpu.memory_space<vmem>>
        %dma_start3A_387 = tpu.memref_squeeze %dma_start3A_386 : memref<1x96xi32, #tpu.memory_space<vmem>> -> memref<96xi32, #tpu.memory_space<vmem>>
        %dma_start3A_388 = arith.constant 0 : i32
        %dma_start3A_389 = tpu.memref_slice %arg3[%dma_start3A_377, %add3A_376, %dma_start3A_388] : memref<2x3360x96xi32, #tpu.memory_space<hbm>> -> memref<1x1x96xi32, #tpu.memory_space<hbm>>
        %dma_start3A_390 = tpu.memref_squeeze %dma_start3A_389 : memref<1x1x96xi32, #tpu.memory_space<hbm>> -> memref<96xi32, #tpu.memory_space<hbm>>
        tpu.enqueue_dma source(%dma_start3A_390 : memref<96xi32, #tpu.memory_space<hbm>>) target(%dma_start3A_387 : memref<96xi32, #tpu.memory_space<vmem>>) target_semaphore(%arg18 : memref<!tpu.dma_semaphore, #tpu.memory_space<semaphore_mem>>)
      } else {
      }
      %add3A_353 = arith.constant 2 : i32
      %add3A_354 = arith.addi %add3A_314, %add3A_353 : i32
      %lt3A_355 = arith.cmpi slt, %add3A_354, %select_n3A_11 : i32
      %convert_element_type3A_356 = arith.extui %lt3A_355 : i1 to i32
      %cond3A_357 = arith.constant 0 : i32
      %cond3A_358 = arith.cmpi ne, %convert_element_type3A_356, %cond3A_357 : i32
      scf.if %cond3A_358 {
        %add3A_359 = arith.constant 2 : i32
        %add3A_360 = arith.addi %add3A_314, %add3A_359 : i32
        %add3A_361 = arith.addi %select_n3A, %add3A_360 : i32
        %dma_wait3A_362 = arith.constant 0 : i32
        %dma_wait3A_363 = arith.constant 0 : i32
        %dma_wait3A_364 = arith.constant 0 : i32
        %dma_wait3A_365 = tpu.memref_slice %arg9[%dma_wait3A_363, %dma_wait3A_364] : memref<2x96xi32, #tpu.memory_space<vmem>> -> memref<1x96xi32, #tpu.memory_space<vmem>>
        %dma_wait3A_366 = tpu.memref_squeeze %dma_wait3A_365 : memref<1x96xi32, #tpu.memory_space<vmem>> -> memref<96xi32, #tpu.memory_space<vmem>>
        %dma_wait3A_367 = arith.constant 0 : i32
        %dma_wait3A_368 = tpu.memref_slice %arg3[%dma_wait3A_362, %add3A_361, %dma_wait3A_367] : memref<2x3360x96xi32, #tpu.memory_space<hbm>> -> memref<1x1x96xi32, #tpu.memory_space<hbm>>
        %dma_wait3A_369 = tpu.memref_squeeze %dma_wait3A_368 : memref<1x1x96xi32, #tpu.memory_space<hbm>> -> memref<96xi32, #tpu.memory_space<hbm>>
        %dma_wait3A_370 = arith.constant 0 : i32
        %dma_wait3A_371 = tpu.memref_slice %arg9[%dma_wait3A_363, %dma_wait3A_370] : memref<2x96xi32, #tpu.memory_space<vmem>> -> memref<1x96xi32, #tpu.memory_space<vmem>>
        %dma_wait3A_372 = tpu.memref_squeeze %dma_wait3A_371 : memref<1x96xi32, #tpu.memory_space<vmem>> -> memref<96xi32, #tpu.memory_space<vmem>>
        %dma_wait3A_373 = arith.constant 0 : i32
        %dma_wait3A_374 = tpu.memref_slice %arg3[%dma_wait3A_362, %add3A_361, %dma_wait3A_373] : memref<2x3360x96xi32, #tpu.memory_space<hbm>> -> memref<1x1x96xi32, #tpu.memory_space<hbm>>
        %dma_wait3A_375 = tpu.memref_squeeze %dma_wait3A_374 : memref<1x1x96xi32, #tpu.memory_space<hbm>> -> memref<96xi32, #tpu.memory_space<hbm>>
        tpu.wait_dma2 semaphore(%arg17 : memref<!tpu.dma_semaphore, #tpu.memory_space<semaphore_mem>>) src(%dma_wait3A_375 : memref<96xi32, #tpu.memory_space<hbm>>) dst(%dma_wait3A_372 : memref<96xi32, #tpu.memory_space<vmem>>)
        %add3A_376 = arith.addi %select_n3A, %add3A_360 : i32
        %dma_wait3A_377 = arith.constant 1 : i32
        %dma_wait3A_378 = arith.constant 1 : i32
        %dma_wait3A_379 = arith.constant 0 : i32
        %dma_wait3A_380 = tpu.memref_slice %arg9[%dma_wait3A_378, %dma_wait3A_379] : memref<2x96xi32, #tpu.memory_space<vmem>> -> memref<1x96xi32, #tpu.memory_space<vmem>>
        %dma_wait3A_381 = tpu.memref_squeeze %dma_wait3A_380 : memref<1x96xi32, #tpu.memory_space<vmem>> -> memref<96xi32, #tpu.memory_space<vmem>>
        %dma_wait3A_382 = arith.constant 0 : i32
        %dma_wait3A_383 = tpu.memref_slice %arg3[%dma_wait3A_377, %add3A_376, %dma_wait3A_382] : memref<2x3360x96xi32, #tpu.memory_space<hbm>> -> memref<1x1x96xi32, #tpu.memory_space<hbm>>
        %dma_wait3A_384 = tpu.memref_squeeze %dma_wait3A_383 : memref<1x1x96xi32, #tpu.memory_space<hbm>> -> memref<96xi32, #tpu.memory_space<hbm>>
        %dma_wait3A_385 = arith.constant 0 : i32
        %dma_wait3A_386 = tpu.memref_slice %arg9[%dma_wait3A_378, %dma_wait3A_385] : memref<2x96xi32, #tpu.memory_space<vmem>> -> memref<1x96xi32, #tpu.memory_space<vmem>>
        %dma_wait3A_387 = tpu.memref_squeeze %dma_wait3A_386 : memref<1x96xi32, #tpu.memory_space<vmem>> -> memref<96xi32, #tpu.memory_space<vmem>>
        %dma_wait3A_388 = arith.constant 0 : i32
        %dma_wait3A_389 = tpu.memref_slice %arg3[%dma_wait3A_377, %add3A_376, %dma_wait3A_388] : memref<2x3360x96xi32, #tpu.memory_space<hbm>> -> memref<1x1x96xi32, #tpu.memory_space<hbm>>
        %dma_wait3A_390 = tpu.memref_squeeze %dma_wait3A_389 : memref<1x1x96xi32, #tpu.memory_space<hbm>> -> memref<96xi32, #tpu.memory_space<hbm>>
        tpu.wait_dma2 semaphore(%arg17 : memref<!tpu.dma_semaphore, #tpu.memory_space<semaphore_mem>>) src(%dma_wait3A_390 : memref<96xi32, #tpu.memory_space<hbm>>) dst(%dma_wait3A_387 : memref<96xi32, #tpu.memory_space<vmem>>)
        %dma_start3A_391 = arith.constant 0 : i32
        %dma_start3A_392 = arith.constant 0 : i32
        %dma_start3A_393 = tpu.memref_slice %arg9[%dma_start3A_391, %dma_start3A_392] : memref<2x96xi32, #tpu.memory_space<vmem>> -> memref<1x96xi32, #tpu.memory_space<vmem>>
        %dma_start3A_394 = tpu.memref_squeeze %dma_start3A_393 : memref<1x96xi32, #tpu.memory_space<vmem>> -> memref<96xi32, #tpu.memory_space<vmem>>
        %dma_start3A_395 = arith.constant 0 : i32
        %dma_start3A_396 = arith.constant 0 : i32
        %dma_start3A_397 = tpu.memref_slice %arg2[%dma_start3A_395, %dma_start3A_396] : memref<20000x128xf32, #tpu.memory_space<hbm>> -> memref<20000x128xf32, #tpu.memory_space<hbm>>
        tpu.enqueue_indirect_dma source(%dma_start3A_397 : memref<20000x128xf32, #tpu.memory_space<hbm>>) target(%arg12 : memref<96x128xf32, #tpu.memory_space<vmem>>) offsets(%dma_start3A_394 : memref<96xi32, #tpu.memory_space<vmem>>) semaphore(%arg20 : memref<!tpu.dma_semaphore, #tpu.memory_space<semaphore_mem>>)
      } else {
      }
    }
    %barrier3A_214 = arith.constant 0 : index
    tpu.barrier barrier_id(%barrier3A_214)
    %mul3A_215 = arith.constant 640 : i32
    %mul3A_216 = arith.muli %arg1, %mul3A_215 : i32
    %mul3A_217 = arith.constant 640 : i32
    %mul3A_218 = arith.muli %arg1, %mul3A_217 : i32
    "tpu.region"() ({
      %run_scoped3A = tpu.sem_alloc : memref<!tpu.dma_semaphore, #tpu.memory_space<semaphore_mem>>
      %dma_start3A_219 = arith.constant 0 : i32
      %dma_start3A_220 = tpu.memref_slice %arg6[%arg0, %mul3A_218, %dma_start3A_219] : memref<2x10240x128xf32, #tpu.memory_space<hbm>> -> memref<1x640x128xf32, #tpu.memory_space<hbm>>
      %dma_start3A_221 = tpu.memref_squeeze %dma_start3A_220 : memref<1x640x128xf32, #tpu.memory_space<hbm>> -> memref<640x128xf32, #tpu.memory_space<hbm>>
      %dma_start3A_222 = arith.constant 0 : i32
      %dma_start3A_223 = tpu.memref_slice %arg15[%mul3A_216, %dma_start3A_222] : memref<10240x128xf32, #tpu.memory_space<vmem_shared>> -> memref<640x128xf32, #tpu.memory_space<vmem_shared>>
      tpu.enqueue_dma source(%dma_start3A_223 : memref<640x128xf32, #tpu.memory_space<vmem_shared>>) target(%dma_start3A_221 : memref<640x128xf32, #tpu.memory_space<hbm>>) target_semaphore(%run_scoped3A : memref<!tpu.dma_semaphore, #tpu.memory_space<semaphore_mem>>)
      %dma_wait3A_224 = arith.constant 0 : i32
      %dma_wait3A_225 = tpu.memref_slice %arg6[%arg0, %mul3A_218, %dma_wait3A_224] : memref<2x10240x128xf32, #tpu.memory_space<hbm>> -> memref<1x640x128xf32, #tpu.memory_space<hbm>>
      %dma_wait3A_226 = tpu.memref_squeeze %dma_wait3A_225 : memref<1x640x128xf32, #tpu.memory_space<hbm>> -> memref<640x128xf32, #tpu.memory_space<hbm>>
      %dma_wait3A_227 = arith.constant 0 : i32
      %dma_wait3A_228 = tpu.memref_slice %arg15[%mul3A_216, %dma_wait3A_227] : memref<10240x128xf32, #tpu.memory_space<vmem_shared>> -> memref<640x128xf32, #tpu.memory_space<vmem_shared>>
      tpu.wait_dma2 semaphore(%run_scoped3A : memref<!tpu.dma_semaphore, #tpu.memory_space<semaphore_mem>>) src(%dma_wait3A_228 : memref<640x128xf32, #tpu.memory_space<vmem_shared>>) dst(%dma_wait3A_226 : memref<640x128xf32, #tpu.memory_space<hbm>>)
      tpu.yield
    }) : () -> ()
    "tpu.region"() ({
      %run_scoped3A = tpu.sem_alloc : memref<!tpu.dma_semaphore, #tpu.memory_space<semaphore_mem>>
      %dma_start3A_219 = arith.constant 0 : i32
      %dma_start3A_220 = tpu.memref_slice %arg7[%add3A, %dma_start3A_219] : memref<32x10240xf32, #tpu.memory_space<hbm>> -> memref<1x10240xf32, #tpu.memory_space<hbm>>
      %dma_start3A_221 = tpu.memref_squeeze %dma_start3A_220 : memref<1x10240xf32, #tpu.memory_space<hbm>> -> memref<10240xf32, #tpu.memory_space<hbm>>
      %dma_start3A_222 = arith.constant 0 : i32
      %dma_start3A_223 = tpu.memref_slice %arg7[%add3A, %dma_start3A_222] : memref<32x10240xf32, #tpu.memory_space<hbm>> -> memref<1x10240xf32, #tpu.memory_space<hbm>>
      %dma_start3A_224 = tpu.memref_squeeze %dma_start3A_223 : memref<1x10240xf32, #tpu.memory_space<hbm>> -> memref<10240xf32, #tpu.memory_space<hbm>>
      tpu.enqueue_dma source(%arg14 : memref<10240xf32, #tpu.memory_space<vmem>>) target(%dma_start3A_224 : memref<10240xf32, #tpu.memory_space<hbm>>) target_semaphore(%run_scoped3A : memref<!tpu.dma_semaphore, #tpu.memory_space<semaphore_mem>>)
      %dma_wait3A_225 = arith.constant 0 : i32
      %dma_wait3A_226 = tpu.memref_slice %arg7[%add3A, %dma_wait3A_225] : memref<32x10240xf32, #tpu.memory_space<hbm>> -> memref<1x10240xf32, #tpu.memory_space<hbm>>
      %dma_wait3A_227 = tpu.memref_squeeze %dma_wait3A_226 : memref<1x10240xf32, #tpu.memory_space<hbm>> -> memref<10240xf32, #tpu.memory_space<hbm>>
      %dma_wait3A_228 = arith.constant 0 : i32
      %dma_wait3A_229 = tpu.memref_slice %arg7[%add3A, %dma_wait3A_228] : memref<32x10240xf32, #tpu.memory_space<hbm>> -> memref<1x10240xf32, #tpu.memory_space<hbm>>
      %dma_wait3A_230 = tpu.memref_squeeze %dma_wait3A_229 : memref<1x10240xf32, #tpu.memory_space<hbm>> -> memref<10240xf32, #tpu.memory_space<hbm>>
      tpu.wait_dma2 semaphore(%run_scoped3A : memref<!tpu.dma_semaphore, #tpu.memory_space<semaphore_mem>>) src(%arg14 : memref<10240xf32, #tpu.memory_space<vmem>>) dst(%dma_wait3A_230 : memref<10240xf32, #tpu.memory_space<hbm>>)
      tpu.yield
    }) : () -> ()
    return
  }
}

module attributes {stable_mosaic.version = 14 : i64} {
  func.func @_final_body(%arg0: i32, %arg1: memref<1x1024x128xf32, #tpu.memory_space<vmem>>, %arg2: memref<1x1024x128xf32, #tpu.memory_space<vmem>>, %arg3: memref<32x10240xf32, #tpu.memory_space<vmem>>, %arg4: memref<128x128xf32, #tpu.memory_space<vmem>>, %arg5: memref<1x128xf32, #tpu.memory_space<vmem>>, %arg6: memref<1024x128xf32, #tpu.memory_space<vmem>>, %arg7: memref<1024x128xf32, #tpu.memory_space<vmem>>) attributes {dimension_semantics = [#tpu.dimension_semantics<arbitrary>], iteration_bounds = array<i64: 10>, scalar_prefetch = 0 : i64, scratch_operands = 0 : i64, tpu.core_type = #tpu.core_type<tc>, window_params = [{transform_indices = @transform_0, window_bounds = array<i64: 1, 1024, 128>}, {transform_indices = @transform_1, window_bounds = array<i64: 1, 1024, 128>}, {pipeline_mode = #tpu.pipeline_mode<synchronous>, transform_indices = @transform_2, window_bounds = array<i64: 32, 10240>}, {pipeline_mode = #tpu.pipeline_mode<synchronous>, transform_indices = @transform_3, window_bounds = array<i64: 128, 128>}, {pipeline_mode = #tpu.pipeline_mode<synchronous>, transform_indices = @transform_4, window_bounds = array<i64: 1, 128>}, {transform_indices = @transform_5, window_bounds = array<i64: 1024, 128>}, {transform_indices = @transform_6, window_bounds = array<i64: 1024, 128>}]} {
    %mul3A = arith.constant 1024 : i32
    %mul3A_0 = arith.muli %arg0, %mul3A : i32
    %get3A = arith.constant 0 : index
    %get3A_1 = arith.index_cast %mul3A_0 : i32 to index
    %get3A_2 = vector.load %arg3[%get3A, %get3A_1] : memref<32x10240xf32, #tpu.memory_space<vmem>>, vector<32x1024xf32>
    %reduce_sum3A = arith.constant dense<0.000000e+00> : vector<1024xf32>
    %reduce_sum3A_3 = vector.multi_reduction <add>, %get3A_2, %reduce_sum3A [0] : vector<32x1024xf32> to vector<1024xf32>
    %get3A_4 = arith.constant 0 : index
    %get3A_5 = arith.constant 0 : index
    %get3A_6 = arith.constant 0 : index
    %get3A_7 = vector.load %arg1[%get3A_4, %get3A_5, %get3A_6] : memref<1x1024x128xf32, #tpu.memory_space<vmem>>, vector<1x1024x128xf32>
    %get3A_8 = vector.shape_cast %get3A_7 : vector<1x1024x128xf32> to vector<1024x128xf32>
    %get3A_9 = arith.constant 0 : index
    %get3A_10 = arith.constant 0 : index
    %get3A_11 = arith.constant 0 : index
    %get3A_12 = vector.load %arg2[%get3A_9, %get3A_10, %get3A_11] : memref<1x1024x128xf32, #tpu.memory_space<vmem>>, vector<1x1024x128xf32>
    %get3A_13 = vector.shape_cast %get3A_12 : vector<1x1024x128xf32> to vector<1024x128xf32>
    %add3A = arith.addf %get3A_8, %get3A_13 : vector<1024x128xf32>
    %max3A = arith.constant 1.000000e+00 : f32
    %max3A_14 = vector.broadcast %max3A : f32 to vector<1024xf32>
    %max3A_15 = arith.maximumf %reduce_sum3A_3, %max3A_14 : vector<1024xf32>
    %broadcast_in_dim3A = vector.shape_cast %max3A_15 : vector<1024xf32> to vector<1024x1xf32>
    %div3A = vector.broadcast %broadcast_in_dim3A : vector<1024x1xf32> to vector<1024x128xf32>
    %div3A_16 = arith.divf %add3A, %div3A : vector<1024x128xf32>
    %get3A_17 = arith.constant 0 : index
    %get3A_18 = arith.constant 0 : index
    %get3A_19 = vector.load %arg4[%get3A_17, %get3A_18] : memref<128x128xf32, #tpu.memory_space<vmem>>, vector<128x128xf32>
    %dot_general3A = arith.constant dense<0.000000e+00> : vector<1024x128xf32>
    %dot_general3A_20 = tpu.matmul %div3A_16, %get3A_19, %dot_general3A {dimension_numbers = #tpu.dot_dimension_numbers<[1], [0], [0], [1], [0, 0, 1, 1], [], []>, transpose_lhs_hint = false} : vector<1024x128xf32>, vector<128x128xf32>, vector<1024x128xf32> -> vector<1024x128xf32>
    %get3A_21 = arith.constant 0 : index
    %get3A_22 = arith.constant 0 : index
    %get3A_23 = vector.load %arg5[%get3A_21, %get3A_22] : memref<1x128xf32, #tpu.memory_space<vmem>>, vector<1x128xf32>
    %add3A_24 = vector.broadcast %get3A_23 : vector<1x128xf32> to vector<1024x128xf32>
    %add3A_25 = arith.addf %dot_general3A_20, %add3A_24 : vector<1024x128xf32>
    %get3A_26 = arith.constant 0 : index
    %get3A_27 = arith.constant 0 : index
    %get3A_28 = vector.load %arg6[%get3A_26, %get3A_27] : memref<1024x128xf32, #tpu.memory_space<vmem>>, vector<1024x128xf32>
    %mul3A_29 = arith.constant 1.000000e-01 : f32
    %mul3A_30 = vector.broadcast %mul3A_29 : f32 to vector<1024x128xf32>
    %mul3A_31 = arith.mulf %get3A_28, %mul3A_30 : vector<1024x128xf32>
    %add3A_32 = arith.addf %add3A_25, %mul3A_31 : vector<1024x128xf32>
    %swap3A = arith.constant 0 : index
    %swap3A_33 = arith.constant 0 : index
    %swap3A_34 = vector.load %arg7[%swap3A, %swap3A_33] : memref<1024x128xf32, #tpu.memory_space<vmem>>, vector<1024x128xf32>
    tpu.vector_store %arg7[%swap3A, %swap3A_33], %add3A_32 {strides = array<i32>} : memref<1024x128xf32, #tpu.memory_space<vmem>>, vector<1024x128xf32>,
    return
  }
  func.func @transform_0(%arg0: i32) -> (i32, i32, i32) {
    %c0_i32 = arith.constant 0 : i32
    %c0_i32_0 = arith.constant 0 : i32
    %c0_i32_1 = arith.constant 0 : i32
    return %c0_i32, %arg0, %c0_i32_0 : i32, i32, i32
  }
  func.func @transform_1(%arg0: i32) -> (i32, i32, i32) {
    %c1_i32 = arith.constant 1 : i32
    %c0_i32 = arith.constant 0 : i32
    %c0_i32_0 = arith.constant 0 : i32
    return %c1_i32, %arg0, %c0_i32 : i32, i32, i32
  }
  func.func @transform_2(%arg0: i32) -> (i32, i32) {
    %c0_i32 = arith.constant 0 : i32
    %c0_i32_0 = arith.constant 0 : i32
    %c0_i32_1 = arith.constant 0 : i32
    return %c0_i32, %c0_i32_0 : i32, i32
  }
  func.func @transform_3(%arg0: i32) -> (i32, i32) {
    %c0_i32 = arith.constant 0 : i32
    %c0_i32_0 = arith.constant 0 : i32
    %c0_i32_1 = arith.constant 0 : i32
    return %c0_i32, %c0_i32_0 : i32, i32
  }
  func.func @transform_4(%arg0: i32) -> (i32, i32) {
    %c0_i32 = arith.constant 0 : i32
    %c0_i32_0 = arith.constant 0 : i32
    %c0_i32_1 = arith.constant 0 : i32
    return %c0_i32, %c0_i32_0 : i32, i32
  }
  func.func @transform_5(%arg0: i32) -> (i32, i32) {
    %c0_i32 = arith.constant 0 : i32
    %c0_i32_0 = arith.constant 0 : i32
    return %arg0, %c0_i32 : i32, i32
  }
  func.func @transform_6(%arg0: i32) -> (i32, i32) {
    %c0_i32 = arith.constant 0 : i32
    %c0_i32_0 = arith.constant 0 : i32
    return %arg0, %c0_i32 : i32, i32
  }
}

module attributes {stable_mosaic.version = 14 : i64} {
  func.func @_idxprep_body(%arg0: memref<2x320000xi32, #tpu.memory_space<vmem>>, %arg1: memref<2x322560xi32, #tpu.memory_space<vmem>>) attributes {dimension_semantics = [], scalar_prefetch = 0 : i64, scratch_operands = 0 : i64, tpu.core_type = #tpu.core_type<tc>} {
    %iota3A = tpu.iota {dimensions = array<i32: 1>} : vector<1x320000xi32>
    %get3A = arith.constant 0 : index
    %get3A_0 = arith.constant 0 : index
    %get3A_1 = vector.load %arg0[%get3A, %get3A_0] : memref<2x320000xi32, #tpu.memory_space<vmem>>, vector<1x320000xi32>
    %lt3A = arith.constant 184320 : i32
    %lt3A_2 = vector.broadcast %lt3A : i32 to vector<1x320000xi32>
    %lt3A_3 = arith.cmpi slt, %iota3A, %lt3A_2 : vector<1x320000xi32>
    %jit3A = arith.constant 0 : i32
    %jit3A_4 = arith.constant 10000 : i32
    %broadcast_in_dim3A = vector.broadcast %jit3A : i32 to vector<1x320000xi32>
    %broadcast_in_dim3A_5 = vector.broadcast %jit3A_4 : i32 to vector<1x320000xi32>
    %select_n3A = arith.select %lt3A_3, %broadcast_in_dim3A, %broadcast_in_dim3A_5 : vector<1x320000xi1>, vector<1x320000xi32>
    %add3A = arith.addi %get3A_1, %select_n3A : vector<1x320000xi32>
    %swap3A = arith.constant 0 : index
    %swap3A_6 = arith.constant 0 : index
    %swap3A_7 = vector.load %arg1[%swap3A, %swap3A_6] : memref<2x322560xi32, #tpu.memory_space<vmem>>, vector<1x320000xi32>
    tpu.vector_store %arg1[%swap3A, %swap3A_6], %add3A {strides = array<i32>} : memref<2x322560xi32, #tpu.memory_space<vmem>>, vector<1x320000xi32>,
    %get3A_8 = arith.constant 1 : index
    %get3A_9 = arith.constant 0 : index
    %get3A_10 = vector.load %arg0[%get3A_8, %get3A_9] : memref<2x320000xi32, #tpu.memory_space<vmem>>, vector<1x320000xi32>
    %swap3A_11 = arith.constant 1 : index
    %swap3A_12 = arith.constant 0 : index
    %swap3A_13 = vector.load %arg1[%swap3A_11, %swap3A_12] : memref<2x322560xi32, #tpu.memory_space<vmem>>, vector<1x320000xi32>
    tpu.vector_store %arg1[%swap3A_11, %swap3A_12], %get3A_10 {strides = array<i32>} : memref<2x322560xi32, #tpu.memory_space<vmem>>, vector<1x320000xi32>,
    %broadcast_in_dim3A_14 = arith.constant 10000 : i32
    %broadcast_in_dim3A_15 = vector.broadcast %broadcast_in_dim3A_14 : i32 to vector<1x2560xi32>
    %swap3A_16 = arith.constant 0 : index
    %swap3A_17 = arith.constant 320000 : index
    %swap3A_18 = vector.load %arg1[%swap3A_16, %swap3A_17] : memref<2x322560xi32, #tpu.memory_space<vmem>>, vector<1x2560xi32>
    tpu.vector_store %arg1[%swap3A_16, %swap3A_17], %broadcast_in_dim3A_15 {strides = array<i32>} : memref<2x322560xi32, #tpu.memory_space<vmem>>, vector<1x2560xi32>,
    %broadcast_in_dim3A_19 = arith.constant 10000 : i32
    %broadcast_in_dim3A_20 = vector.broadcast %broadcast_in_dim3A_19 : i32 to vector<1x2560xi32>
    %swap3A_21 = arith.constant 1 : index
    %swap3A_22 = arith.constant 320000 : index
    %swap3A_23 = vector.load %arg1[%swap3A_21, %swap3A_22] : memref<2x322560xi32, #tpu.memory_space<vmem>>, vector<1x2560xi32>
    tpu.vector_store %arg1[%swap3A_21, %swap3A_22], %broadcast_in_dim3A_20 {strides = array<i32>} : memref<2x322560xi32, #tpu.memory_space<vmem>>, vector<1x2560xi32>,
    return
  }
}

module attributes {stable_mosaic.version = 14 : i64} {
  func.func @_normalize_body(%arg0: i32, %arg1: memref<1024x128xf32, #tpu.memory_space<vmem>>, %arg2: memref<2x1024x128xf32, #tpu.memory_space<vmem>>) attributes {dimension_semantics = [#tpu.dimension_semantics<arbitrary>], iteration_bounds = array<i64: 10>, scalar_prefetch = 0 : i64, scratch_operands = 0 : i64, tpu.core_type = #tpu.core_type<tc>, window_params = [{transform_indices = @transform_0, window_bounds = array<i64: 1024, 128>}, {transform_indices = @transform_1, window_bounds = array<i64: 2, 1024, 128>}]} {
    %get3A = arith.constant 0 : index
    %get3A_0 = arith.constant 0 : index
    %get3A_1 = vector.load %arg1[%get3A, %get3A_0] : memref<1024x128xf32, #tpu.memory_space<vmem>>, vector<1024x128xf32>
    %mul3A = arith.mulf %get3A_1, %get3A_1 : vector<1024x128xf32>
    %reduce_sum3A = arith.constant dense<0.000000e+00> : vector<1024xf32>
    %reduce_sum3A_2 = vector.multi_reduction <add>, %mul3A, %reduce_sum3A [1] : vector<1024x128xf32> to vector<1024xf32>
    %broadcast_in_dim3A = vector.shape_cast %reduce_sum3A_2 : vector<1024xf32> to vector<1024x1xf32>
    %max3A = arith.constant 1.000000e-24 : f32
    %max3A_3 = vector.broadcast %max3A : f32 to vector<1024x1xf32>
    %max3A_4 = arith.maximumf %broadcast_in_dim3A, %max3A_3 : vector<1024x1xf32>
    %rsqrt3A = math.rsqrt %max3A_4 : vector<1024x1xf32>
    %mul3A_5 = vector.broadcast %rsqrt3A : vector<1024x1xf32> to vector<1024x128xf32>
    %mul3A_6 = arith.mulf %get3A_1, %mul3A_5 : vector<1024x128xf32>
    %swap3A = arith.constant 0 : index
    %swap3A_7 = arith.constant 0 : index
    %swap3A_8 = arith.constant 0 : index
    %swap3A_9 = vector.load %arg2[%swap3A, %swap3A_7, %swap3A_8] : memref<2x1024x128xf32, #tpu.memory_space<vmem>>, vector<1x1024x128xf32>
    %swap3A_10 = vector.shape_cast %swap3A_9 : vector<1x1024x128xf32> to vector<1024x128xf32>
    %swap3A_11 = vector.shape_cast %mul3A_6 : vector<1024x128xf32> to vector<1x1024x128xf32>
    tpu.vector_store %arg2[%swap3A, %swap3A_7, %swap3A_8], %swap3A_11 {strides = array<i32>} : memref<2x1024x128xf32, #tpu.memory_space<vmem>>, vector<1x1024x128xf32>,
    %swap3A_12 = arith.constant 1 : index
    %swap3A_13 = arith.constant 0 : index
    %swap3A_14 = arith.constant 0 : index
    %swap3A_15 = vector.load %arg2[%swap3A_12, %swap3A_13, %swap3A_14] : memref<2x1024x128xf32, #tpu.memory_space<vmem>>, vector<1x1024x128xf32>
    %swap3A_16 = vector.shape_cast %swap3A_15 : vector<1x1024x128xf32> to vector<1024x128xf32>
    %swap3A_17 = vector.shape_cast %mul3A_6 : vector<1024x128xf32> to vector<1x1024x128xf32>
    tpu.vector_store %arg2[%swap3A_12, %swap3A_13, %swap3A_14], %swap3A_17 {strides = array<i32>} : memref<2x1024x128xf32, #tpu.memory_space<vmem>>, vector<1x1024x128xf32>,
    return
  }
  func.func @transform_0(%arg0: i32) -> (i32, i32) {
    %c0_i32 = arith.constant 0 : i32
    %c0_i32_0 = arith.constant 0 : i32
    return %arg0, %c0_i32 : i32, i32
  }
  func.func @transform_1(%arg0: i32) -> (i32, i32, i32) {
    %c0_i32 = arith.constant 0 : i32
    %c0_i32_0 = arith.constant 0 : i32
    %c0_i32_1 = arith.constant 0 : i32
    return %c0_i32, %arg0, %c0_i32_0 : i32, i32, i32
  }
}

</mosaic_0001>

<sc_bundles>
// kernel: kernel.6.cloned.1.call-start
scs
__scs_entry_jumppad:
0x0: {  	(pc) =	sbr.rel $0x88, $3  }
0x1: {  	(tag) =	ssettag $0x0;
	lr =	simm.s32 $0x1  }
0x2: {  	[smem:$0x3F9C] =	sst lr;
	_ =	strace $0xD0000000  }
0x3: {  	_ = 	snop  }
0x4: {  	_ = 	snop  }
0x5: {  	_ = 	snop  }
0x6: {  	_ = 	snop  }
0x7: {  	_ = 	snop  }
__scs_overlays_trampoline_lowered:
0x8: {  	[smem:$0x3FAB] =	sst s0  }
0x9: {  	[smem:$0x3FAC] =	sst s1  }
0xa: {  	[smem:$0x3FAD] =	sst s2  }
0xb: {  	[smem:$0x3FAE] =	sst s3  }
0xc: {  	[smem:$0x3FAF] =	sst s4  }
0xd: {  	[smem:$0x3FB0] =	sst s5  }
0xe: {  	[smem:$0x3FB1] =	sst s6  }
0xf: {  	[smem:$0x3FB2] =	sst s7  }
0x10: {  	[smem:$0x3FB3] =	sst s8  }
0x11: {  	[smem:$0x3FB4] =	sst s9;
	s0 =	simm.s32 @!p0 $0x0  }
0x12: {  	s1 =	sld [smem:$0x3F9A];
	s0 =	simm.s32 @p0 $0x1  }
0x13: {  	[smem:$0x3FB5] =	sst s0;
	s0 =	simm.s32 @!p1 $0x0  }
0x14: {  	s2 =	sld [smem:$0x3F99];
	s0 =	simm.s32 @p1 $0x1  }
0x15: {  	[smem:$0x3FB6] =	sst s0;
	s0 =	simm.s32 @!p2 $0x0  }
0x16: {  	s3 =	sld [smem:$0x3FDB];
	s0 =	simm.s32 @p2 $0x1  }
0x17: {  	s4 =	simm.s32 $0x1BF5;
	[smem:$0x3FB8] =	sst s0  }
0x18: {  	s0 =	sld [smem:$0x3F9B];
	_ =	swait.ge [sflag:s4], $0x0  }
0x19: {  	s7 =	sld [smem:$0x3F9C]  }
0x1a: {  	s8 =	sadd.s32 $0xFFFFE003, lr  }
0x1b: {  	s9 =	sadd.s32 $0xFFFFFEF7, lr;
	s5 =	simm.s32 $0xFFFFFFFF;
	p2 =	slt.u32 s8, $0xFFFFF086  }
0x1c: {  	p1 =	slt.u32 s9, $0xF7A;
	s5 =	simm.s32 @!p2 $0x0  }
0x1d: {  	s5 =	simm.s32 @p1 $0x1;
	p0 =	seq.s32 s7, s2  }
0x1e: {  	s7 =	smul.u32 @!p0 $0xF7A, s2;
	p2 =	seq.s32 @!p0 s5, $0x0  }
0x1f: {  	s9 =	smul.u32 $0xF7A, s1;
	s8 =	simm.s32 @!p0 $0x1BF5;
	p2 =	por !p2, p0  }
0x20: {  	[sflag:s8] =	ssyncset.s32 @!p0 $0xFFFFF086;
	s6 =	sadd.s32 @!p0 s3, s7;
	s7 =	simm.s32 @!p0 $0x108  }
0x21: {  	s3 =	sadd.s32 s3, s9;
	s6 =	sadd.s32 @!p0 $0x88, s6;
	s7 =	simm.s32 @p2 $0x1082  }
0x22: {  	[simem:s7], [sflag:s8] =	dma.local @!p0 [hbm:s6], $0xF7A  }
0x23: {  	s9 =	sor.u32 $0xD0000000, s2;
	s6 =	simm.s32 $0x108;
	_ =	swait.ge @!p0 [sflag:s8], $0x0  }
0x24: {  	s3 =	sadd.s32 $0x88, s3;
	s6 =	simm.s32 @!p1 $0x1082;
	[sflag:s4] =	ssyncset.s32 $0xFFFFF086  }
0x25: {  	[simem:s6], [sflag:s4] =	dma.local [hbm:s3], $0xF7A  }
0x26: {  	[smem:$0x3F9C] =	sst s1;
	(tag) =	ssettag s2;
	_ =	strace s9  }
0x27: {  	s1 =	sld [smem:$0x3FAC]  }
0x28: {  	s2 =	sld [smem:$0x3FAD]  }
0x29: {  	s4 =	sld [smem:$0x3FAF]  }
0x2a: {  	p0 =	seq.s32 s5, $0x0;
	s5 =	sld [smem:$0x3FB0]  }
0x2b: {  	s6 =	sld [smem:$0x3FB1]  }
0x2c: {  	s7 =	sld [smem:$0x3FB2]  }
0x2d: {  	s3 =	simm.s32 $0x108;
	s8 =	sld [smem:$0x3FB3]  }
0x2e: {  	s3 =	simm.s32 @!p0 $0x1082;
	s9 =	sld [smem:$0x3FB4]  }
0x2f: {  	lr =	sadd.s32 s0, s3;
	s0 =	sld [smem:$0x3FAB]  }
0x30: {  	s3 =	sld [smem:$0x3FAE]  }
0x31: {  	[smem:$0x3FB7] =	sst s10  }
0x32: {  	s10 =	sld [smem:$0x3FB5];
	_ =	sdelay $0x3  }
0x33: {  	p0 =	seq.s32 s10, $0x1;
	s10 =	sld [smem:$0x3FB7];
	_ =	sdelay $0x3  }
0x34: {  	[smem:$0x3FB7] =	sst s10  }
0x35: {  	s10 =	sld [smem:$0x3FB6];
	_ =	sdelay $0x3  }
0x36: {  	p1 =	seq.s32 s10, $0x1;
	s10 =	sld [smem:$0x3FB7];
	_ =	sdelay $0x3  }
0x37: {  	[smem:$0x3FB7] =	sst s10  }
0x38: {  	s10 =	sld [smem:$0x3FB8]  }
0x39: {  	_ = 	snop;
	(pc) =	sbr.ind lr, $3  }
0x3a: {  	_ = 	snop  }
0x3b: {  	_ = 	snop  }
0x3c: {  	p2 =	seq.s32 s10, $0x1;
	s10 =	sld [smem:$0x3FB7]  }
0x3d: {  	_ =	shalt  }
0x3e: {  	_ =	shalt  }
0x3f: {  	_ =	shalt  }
0x40: {  	_ =	shalt  }
0x41: {  	_ =	shalt  }
0x42: {  	_ =	shalt  }
0x43: {  	_ =	shalt  }
0x44: {  	_ =	shalt  }
0x45: {  	_ =	shalt  }
0x46: {  	_ =	shalt  }
0x47: {  	_ =	shalt  }
0x48: {  	_ =	shalt  }
0x49: {  	_ =	shalt  }
0x4a: {  	_ =	shalt  }
0x4b: {  	_ =	shalt  }
0x4c: {  	_ =	shalt  }
0x4d: {  	_ =	shalt  }
0x4e: {  	_ =	shalt  }
0x4f: {  	_ =	shalt  }
0x50: {  	_ =	shalt  }
0x51: {  	_ =	shalt  }
0x52: {  	_ =	shalt  }
0x53: {  	_ =	shalt  }
0x54: {  	_ =	shalt  }
0x55: {  	_ =	shalt  }
0x56: {  	_ =	shalt  }
0x57: {  	_ =	shalt  }
0x58: {  	_ =	shalt  }
0x59: {  	_ =	shalt  }
0x5a: {  	_ =	shalt  }
0x5b: {  	_ =	shalt  }
0x5c: {  	_ =	shalt  }
0x5d: {  	_ =	shalt  }
0x5e: {  	_ =	shalt  }
0x5f: {  	_ =	shalt  }
0x60: {  	_ =	shalt  }
0x61: {  	_ =	shalt  }
0x62: {  	_ =	shalt  }
0x63: {  	_ =	shalt  }
0x64: {  	_ =	shalt  }
0x65: {  	_ =	shalt  }
0x66: {  	_ =	shalt  }
0x67: {  	_ =	shalt  }
0x68: {  	_ =	shalt  }
0x69: {  	_ =	shalt  }
0x6a: {  	_ =	shalt  }
0x6b: {  	_ =	shalt  }
0x6c: {  	_ =	shalt  }
0x6d: {  	_ =	shalt  }
0x6e: {  	_ =	shalt  }
0x6f: {  	_ =	shalt  }
0x70: {  	_ =	shalt  }
0x71: {  	_ =	shalt  }
0x72: {  	_ =	shalt  }
0x73: {  	_ =	shalt  }
0x74: {  	_ =	shalt  }
0x75: {  	_ =	shalt  }
0x76: {  	_ =	shalt  }
0x77: {  	_ =	shalt  }
0x78: {  	_ =	shalt  }
0x79: {  	_ =	shalt  }
0x7a: {  	_ =	shalt  }
0x7b: {  	_ =	shalt  }
0x7c: {  	_ =	shalt  }
0x7d: {  	_ =	shalt  }
0x7e: {  	_ =	shalt  }
0x7f: {  	_ =	shalt  }
0x80: {  	_ =	shalt  }
0x81: {  	_ =	shalt  }
0x82: {  	_ =	shalt  }
0x83: {  	_ =	shalt  }
0x84: {  	_ =	shalt  }
0x85: {  	_ =	shalt  }
0x86: {  	_ =	shalt  }
0x87: {  	_ =	shalt  }
.Lfunc_end0:
.L_simem_size_0:
called_computation_lowered:
.L_overlay_start_0:
0x88: {  	s2 =	sld [smem:$0x3FD9]  }
0x89: {  	s3 =	sld [smem:$0x3FFE];
	_ =	sdelay $0x1  }
0x8a: {  	s1 =	srdreg.scid  }
0x8b: {  	s0 =	sand.u32 $0x1, s1  }
0x8c: {  	s17 =	sshll.u32 s0, $0xA;
	s2 =	sadd.s32 s3, s2  }
0x8d: {  	s2 =	sadd.s32 s2, s17  }
0x8e: {  	[smem:$0x3FC3] =	sst s2  }
0x8f: {  	_ = 	snop  }
0x90: {  	s2 =	sld [smem:$0x3FD0];
	(tm) =	ssettm $0x1  }
0x91: {  	s18 =	sld [smem:$0x3FFB];
	_ =	sdelay $0x3  }
0x92: {  	_ =	strace s18  }
0x93: {  	s3 =	sld [smem:$0x3FFC];
	_ =	sdelay $0x3  }
0x94: {  	_ =	strace s3  }
0x95: {  	s3 =	sld [smem:$0x3FFD];
	_ =	sdelay $0x3  }
0x96: {  	_ =	strace s3  }
0x97: {  	_ =	strace $0x8FFFFFFF  }
0x98: {  	s19 =	sld [smem:$0x3FDB];
	_ =	sdelay $0x1  }
0x99: {  	s4 =	simm.s32 $_scs_section_size  }
0x9a: {  	s5 =	simm.s32 $_size__tile_overlayer_lowered;
	s6 =	simm.s32 $_tile_overlayer_lowered  }
0x9b: {  	s22 =	simm.s32 $0x1BFF;
	s21 =	sshll.u32 s6, $0x1;
	s3 =	sadd.s32 s4, s19  }
0x9c: {  	s7 =	simm.s32 $0x0;
	s20 =	sshll.u32 s5, $0x1;
	s5 =	sadd.s32 s21, s3  }
0x9d: {  	[timem:s7], [sflag:s22] =	dma.local [hbm:s5], s20  }
0x9e: {  	_ =	swait.ge [sflag:s22], s20  }
0x9f: {  	s4 =	ssub.s32 $0x0, s20;
	[sflag:s22] =	ssyncset.done $0x0  }
0xa0: {  	[sflag:s22] =	ssyncadd.s32 s4;
	_ =	sdelay $0x1  }
0xa1: {  	s23 =	simm.s32 $0x1B8B  }
0xa2: {  	_ =	swait.ge [sflag:s23], $0x1  }
0xa3: {  	[sflag:s23] =	ssyncset.done $0x0  }
0xa4: {  	s25 =	simm.s32 $0x1B8E;
	s24 =	sld [smem:$0x3FFE];
	[sflag:s23] =	ssyncadd.s32 $0xFFFFFFFF  }
0xa5: {  	s26 =	simm.s32 $execute0_lowered;
	[smem:$0x3FD2] =	sst s25  }
0xa6: {  	s5 =	sshll.u32 s26, $0x1;
	_ =	strace $0x80000046;
	[dreg:$0x1] =	wrdreg $0xFFFFFFFF  }
0xa7: {  	s28 =	simm.s32 $_size_execute0_lowered;
	s3 =	sadd.s32 s3, s5;
	[dreg:$0x0] =	wrdreg $0x0  }
0xa8: {  	s5 =	sshll.u32 s28, $0x1;
	[dreg:$0x2] =	wrdreg s3  }
0xa9: {  	[dreg:$0x3] =	wrdreg s5  }
0xaa: {  	[dreg:$0x4] =	wrdreg $0xC0  }
0xab: {  	_ =	task [dreg:s7], $0x5FFFF  }
0xac: {  	[dreg:$0x1] =	wrdreg $0xFFFFFFFF  }
0xad: {  	[dreg:$0x0] =	wrdreg $0x60  }
0xae: {  	[dreg:$0x2] =	wrdreg s24  }
0xaf: {  	[dreg:$0x3] =	wrdreg s2  }
0xb0: {  	[dreg:$0x4] =	wrdreg $0xBB000  }
0xb1: {  	[dreg:$0x5] =	wrdreg $0x9  }
0xb2: {  	_ =	task.clear_ibuf [dreg:s7], $0x6FFFF;
	_ =	strace $0x90000046  }
0xb3: {  	s29 =	simm.s32 $0x9;
	_ =	strace $0x80000048  }
0xb4: {  	_ =	swait.ge [sflag:s29], $0x1  }
0xb5: {  	[sflag:s29] =	ssyncadd.s32 $0xFFFFFFFF  }
0xb6: {  	_ =	strace $0x90000048  }
0xb7: {  	_ =	sfence  }
0xb8: {  	s30 =	sld [smem:$0x0];
	_ =	sdelay $0x2  }
0xb9: {  	s31 =	sshll.u32 s1, $0xD;
	s1 =	sshrl.u32 s1, $0x2  }
0xba: {  	s3 =	sand.u32 $0x4000, s31;
	s1 =	sadd.s32 s1, s30  }
0xbb: {  	s0 =	sor.u32 s3, s0;
	s1 =	sshll.u32 s1, $0x11  }
0xbc: {  	s0 =	sor.u32 s1, s0  }
0xbd: {  	s0 =	sadd.s32 $0x8F2B, s0  }
0xbe: {  	[sflag:s0] =	ssyncadd.remote.s32 $0x1  }
0xbf: {  	_ =	sfence.sel $0xFFFF  }
0xc0: {  	[dreg:$0x0] =	wrdreg $0xFFFFFFFF;
	(pc) =	sbr.abs _section_cstart, $3  }
0xc1: {  	[dreg:$0x1] =	wrdreg $0xFFFFFFFF  }
0xc2: {  	_ =	task.clear_ibuf [dreg:s7], $0x2FFFF;
	_ =	strace $0x9FFFFFFF  }
0xc3: {  	(tm) =	ssettm $0x7FFFFFFF  }
tec
execute0_lowered:
.L_overlay_start_1:
0x0: {  	(tag) =	ssettag $0x1  }
0x1: {  	s0 =	rddreg [dreg:$0x0]  }
0x2: {  	s1 =	rddreg [dreg:$0x1]  }
0x3: {  	s2 =	rddreg [dreg:$0x2]  }
0x4: {  	s3 =	srdreg.scid;
	s4 =	simm.s32 $0x0;
	s12 =	stileid.u32  }
0x5: {  	s29 =	simm.s32 $0x280;
	s30 =	simm.s32 $0x1;
	s7 =	smul.u32 $0x14000, s12  }
0x6: {  	s31 =	simm.s32 $0x60;
	s28 =	simm.s32 $0x3300;
	s20 =	smul.u32 $0x5A, s12  }
0x7: {  	s3 =	sand.u32 $0x1, s3;
	[smem:$0x7FF] =	sst s4;
	s10 =	smul.u32 $0x78, s12  }
0x8: {  	s17 =	sshll.u32 s12, $0x7;
	s9 =	sadd.s32 $0x50600, s0;
	s22 =	smul.u32 $0x50000, s12  }
0x9: {  	s18 =	sadd.s32 $0x50000, s0;
	s23 =	sshll.u32 s12, $0x6;
	s6 =	smul.u32 $0x140000, s3  }
0xa: {  	s5 =	sshll.u32 s3, $0x4;
	_ =	strace $0x80000047;
	[dreg:$0x7] =	wrdreg s9  }
0xb: {  	[dreg:$0x8] =	wrdreg s18;
	s19 =	ssub.s32 $0x2, s3;
	p0 =	seq.s32 s3, $0x0  }
0xc: {  	s8 =	sor.u32 s12, s5;
	s5 =	sadd.s32 $0x1E00, s0;
	s21 =	sshrl.u32 s19, $0x1  }
0xd: {  	s3 =	sadd.s32 $0x780, s20;
	s9 =	sshrl.u32 s22, $0x2;
	s8 =	sshrl.u32 s8, $0x3  }
0xe: {  	s6 =	sadd.s32 s7, s6;
	s3 =	smov.u32 @p0 s10;
	s9 =	sadd.s32 s9, s2  }
0xf: {  	s10 =	sor.u32 $0x1C07, s23;
	s16 =	smul.u32 $0x14000, s8;
	s6 =	sshrl.u32 s6, $0x3  }
0x10: {  	s8 =	sand.u32 $0x380, s17;
	s11 =	sshll.u32 s3, $0x7;
	[dreg:$0x9] =	wrdreg s9  }
0x11: {  	s3 =	sshll.u32 s3, $0x4;
	s6 =	sadd.s32 s6, s0;
	s24 =	sand.u32 $0x7FC00, s11  }
0x12: {  	s25 =	sand.u32 $0x300, s11;
	s15 =	sadd.s32 s1, s3;
	s7 =	sor.u32 s8, s16  }
0x13: {  	s8 =	simm.s32 $0x78;
	s13 =	sadd.s32 $0x69000, s24;
	s9 =	sor.u32 $0x80, s25  }
0x14: {  	s22 =	sadd.s32 $0x52E00, s6;
	[dreg:$0xa] =	wrdreg s15;
	s6 =	simm.s32 $0x4  }
0x15: {  	s7 =	sshrl.u32 s7, $0x3;
	s8 =	simm.s32 @!p0 $0x5A;
	s14 =	sor.u32 s25, s13  }
0x16: {  	s12 =	sor.u32 s24, s9;
	s9 =	sor.u32 s9, s13;
	[dreg:$0x10] =	wrdreg s22  }
0x17: {  	s24 =	sadd.s32 $0x50, s15;
	s25 =	sadd.s32 $0x280, s11;
	s22 =	simm.s32 $0x7  }
0x18: {  	s0 =	sadd.s32 s7, s0;
	s7 =	ssub.s32 s19, s21;
	s26 =	sshrl.u32 s14, $0x3  }
0x19: {  	s12 =	sshrl.u32 s12, $0x3;
	s9 =	sshrl.u32 s9, $0x3;
	s14 =	sshrl.u32 s11, $0x3  }
0x1a: {  	s16 =	smul.u32 $0x56, s8;
	s19 =	sadd.s32 $0x69100, s11;
	[dreg:$0x13] =	wrdreg s24  }
0x1b: {  	s21 =	sadd.s32 $0xFFFFFFFE, s8;
	[dreg:$0x14] =	wrdreg s25;
	s24 =	simm.s32 $0x80  }
0x1c: {  	s25 =	simm.s32 $0x100;
	s3 =	sadd.s32 s1, s26;
	[dreg:$0x4] =	wrdreg s21  }
0x1d: {  	s17 =	sadd.s32 s1, s9;
	s18 =	sadd.s32 s1, s14;
	[dreg:$0xb] =	wrdreg s3  }
0x1e: {  	s0 =	sadd.s32 $0xA2E00, s0;
	s23 =	smax.u32 s7, $0x1;
	[dreg:$0xd] =	wrdreg s17  }
0x1f: {  	s26 =	simm.s32 $0x6300;
	s7 =	simm.s32 $0x5;
	[dreg:$0x11] =	wrdreg s0  }
0x20: {  	s3 =	sadd.s32 s1, s12;
	s20 =	sshrl.u32 s16, $0x8;
	[dreg:$0x12] =	wrdreg s23  }
0x21: {  	s23 =	simm.s32 $0x9300;
	[dreg:$0x6] =	wrdreg s26;
	s26 =	simm.s32 $0x180  }
0x22: {  	[dreg:$0xc] =	wrdreg s3;
	s3 =	sadd.s32 $0x20, s18;
	s9 =	smul.u32 $0x3, s20  }
0x23: {  	s0 =	simm.s32 $0x300;
	[dreg:$0xe] =	wrdreg s3;
	s3 =	sshrl.u32 s19, $0x3  }
0x24: {  	s12 =	simm.s32 $0x0;
	s3 =	sadd.s32 s1, s3;
	[dreg:$0x5] =	wrdreg s9  }
0x25: {  	v0 =	vimm.f32 $1.000000000e+00;
	s9 =	simm.s32 $0x6;
	[dreg:$0xf] =	wrdreg s3;
	s3 =	simm.s32 $0x2  }
.LBB2_1:
0x26: {  	s11 =	rddreg [dreg:$0x9]  }
0x27: {  	s13 =	rddreg [dreg:$0x7];
	s11 =	sshrl.u32 s11, $0x3  }
0x28: {  	[spmem:s11], [sflag:s10] =	dma.local [hbm:s13], $0x2800  }
0x29: {  	_ =	swait.ge [sflag:s22], $0x2800  }
0x2a: {  	[sflag:s22] =	ssyncset.done $0x0  }
0x2b: {  	s15 =	rddreg [dreg:$0x8];
	[sflag:s22] =	ssyncadd.s32 $0xFFFFD800  }
0x2c: {  	[tilespmem:s23], [sflag:$0x7] =	stream.linear.gather [hbm4b:s15+s4], $0x2800, $0x38;
	[tilespmem:$0x1FB00] =	vst v63  }
0x2d: {  	_ =	swait.ge [sflag:s22], $0x2800  }
0x2e: {  	[sflag:s22] =	ssyncset.done $0x0  }
0x2f: {  	[sflag:s22] =	ssyncadd.s32 $0xFFFFD800  }
0x30: {  	[bflag:$0x0] =	sbarrier.arrive $0xFFFF  }
0x31: {  	s16 =	rddreg [dreg:$0xa]  }
0x32: {  	[tilespmem:s4], [sflag:$0x1] =	stream.linear.gather [hbm4b:s16+s4], $0x80, $0x38;
	[tilespmem:$0x1FB00] =	vst v63  }
0x33: {  	s17 =	rddreg [dreg:$0xb]  }
0x34: {  	[tilespmem:s24], [sflag:$0x1] =	stream.linear.gather [hbm4b:s17+s4], $0x80, $0x38;
	[tilespmem:$0x1FB00] =	vst v63  }
0x35: {  	s18 =	rddreg [dreg:$0xc]  }
0x36: {  	[tilespmem:s25], [sflag:$0x2] =	stream.linear.gather [hbm4b:s18+s4], $0x80, $0x38;
	[tilespmem:$0x1FB00] =	vst v63  }
0x37: {  	s19 =	rddreg [dreg:$0xd]  }
0x38: {  	[tilespmem:s26], [sflag:$0x2] =	stream.linear.gather [hbm4b:s19+s4], $0x80, $0x38;
	[tilespmem:$0x1FB00] =	vst v63  }
0x39: {  	s14 =	simm.s32 $0x200;
	s20 =	rddreg [dreg:$0xe]  }
0x3a: {  	[tilespmem:s14], [sflag:$0x3] =	stream.linear.gather [hbm4b:s20+s4], $0x80, $0x38;
	[tilespmem:$0x1FB00] =	vst v63  }
0x3b: {  	s21 =	rddreg [dreg:$0xf]  }
0x3c: {  	[tilespmem:s29], [sflag:$0x3] =	stream.linear.gather [hbm4b:s21+s4], $0x80, $0x38;
	[tilespmem:$0x1FB00] =	vst v63  }
0x3d: {  	_ =	swait.ge [sflag:s30], $0x80  }
0x3e: {  	[sflag:s30] =	ssyncset.done $0x0  }
0x3f: {  	[sflag:s30] =	ssyncadd.s32 $0xFFFFFF80  }
0x40: {  	_ =	swait.ge [sflag:s30], $0x80  }
0x41: {  	[sflag:s30] =	ssyncset.done $0x0  }
0x42: {  	[sflag:s30] =	ssyncadd.s32 $0xFFFFFF80  }
0x43: {  	[tilespmem:s0], [sflag:$0x4] =	stream.indirect.gather [hbm4b:s5+s31], $0x80, s4, s31, $0xb8;
	[tilespmem:$0x1FB00] =	vst v63  }
0x44: {  	_ =	swait.ge [sflag:s3], $0x80  }
0x45: {  	[sflag:s3] =	ssyncset.done $0x0  }
0x46: {  	[sflag:s3] =	ssyncadd.s32 $0xFFFFFF80  }
0x47: {  	_ =	swait.ge [sflag:s3], $0x80  }
0x48: {  	[sflag:s3] =	ssyncset.done $0x0;
	s21 =	rddreg [dreg:$0x14]  }
0x49: {  	s15 =	simm.s32 $0x0;
	s20 =	rddreg [dreg:$0x13];
	[sflag:s3] =	ssyncadd.s32 $0xFFFFFF80  }
0x4a: {  	[tilespmem:s28], [sflag:$0x5] =	stream.indirect.gather [hbm4b:s5+s31], $0x80, s25, s31, $0xb8;
	[tilespmem:$0x1FB00] =	vst v63  }
.LBB2_2:
0x4b: {  	_ =	swait.ge [sflag:s6], $0x3000  }
0x4c: {  	[sflag:s6] =	ssyncset.done $0x0  }
0x4d: {  	[sflag:s6] =	ssyncadd.s32 $0xFFFFD000  }
0x4e: {  	[spmem:s2] =	stream.indirect.scatter.add.f32 [tilespmem:s0], [sflag:$0x7], $0x80, s24, s31, $0xb8;
	[tilespmem:$0x1FB00] =	vst v63  }
0x4f: {  	_ =	swait.ge [sflag:s22], $0x3000  }
0x50: {  	[sflag:s22] =	ssyncset.done $0x0  }
0x51: {  	[sflag:s22] =	ssyncadd.s32 $0xFFFFD000  }
0x52: {  	v1 =	vld [tilespmem:$0x80];
	_ =	sdelay $0x7  }
0x53: {  	[tilespmem:v1+s23+$0x0] =	vst.idx.add.f32.msk $0xffff, v0  }
0x54: {  	v1 =	vld [tilespmem:$0x90];
	_ =	sdelay $0x7  }
0x55: {  	[tilespmem:v1+s23+$0x0] =	vst.idx.add.f32.msk $0xffff, v0  }
0x56: {  	v1 =	vld [tilespmem:$0xA0];
	_ =	sdelay $0x7  }
0x57: {  	[tilespmem:v1+s23+$0x0] =	vst.idx.add.f32.msk $0xffff, v0  }
0x58: {  	v1 =	vld [tilespmem:$0xB0];
	_ =	sdelay $0x7  }
0x59: {  	[tilespmem:v1+s23+$0x0] =	vst.idx.add.f32.msk $0xffff, v0  }
0x5a: {  	v1 =	vld [tilespmem:$0xC0];
	_ =	sdelay $0x7  }
0x5b: {  	[tilespmem:v1+s23+$0x0] =	vst.idx.add.f32.msk $0xffff, v0  }
0x5c: {  	v1 =	vld [tilespmem:$0xD0];
	_ =	sdelay $0x2  }
0x5d: {  	s16 =	sadd.s32 $0x3, s15  }
0x5e: {  	p0 =	sge.u32 s16, s8  }
0x5f: {  	s17 =	sadd.s32 @!p0 $0xFFFFFF00, s21  }
0x60: {  	s17 =	sand.u32 @!p0 $0x7FFFFF80, s17  }
0x61: {  	s18 =	sadd.s32 @!p0 $0xFFFFFFE0, s20;
	s17 =	sadd.s32 @!p0 $0x69000, s17  }
0x62: {  	s19 =	simm.s32 @!p0 $0x0;
	s17 =	sshrl.u32 @!p0 s17, $0x3;
	s13 =	rddreg [dreg:$0x4];
	[tilespmem:v1+s23+$0x0] =	vst.idx.add.f32.msk $0xffff, v0  }
0x63: {  	[tilespmem:s19], [sflag:$0x1] =	stream.linear.gather @!p0 [hbm4b:s18+s19], $0x80, $0x38;
	[tilespmem:$0x1FB00] =	vst v63  }
0x64: {  	s14 =	simm.s32 @!p0 $0x80;
	s17 =	sadd.s32 @!p0 s1, s17;
	p1 =	sge.u32 s15, s13  }
0x65: {  	[tilespmem:s14], [sflag:$0x1] =	stream.linear.gather @!p0 [hbm4b:s17+s19], $0x80, $0x38;
	[tilespmem:$0x1FB00] =	vst v63  }
0x66: {  	s14 =	simm.s32 @!p1 $0x3  }
0x67: {  	_ =	swait.ge @!p1 [sflag:s14], $0x80  }
0x68: {  	[sflag:s14] =	ssyncset.done @!p1 $0x0  }
0x69: {  	[sflag:s14] =	ssyncadd.s32 @!p1 $0xFFFFFF80  }
0x6a: {  	_ =	swait.ge @!p1 [sflag:s14], $0x80  }
0x6b: {  	s18 =	simm.s32 @!p1 $0x6300;
	[sflag:s14] =	ssyncset.done @!p1 $0x0  }
0x6c: {  	s17 =	simm.s32 @!p1 $0x200;
	[sflag:s14] =	ssyncadd.s32 @!p1 $0xFFFFFF80;
	s14 =	simm.s32 @!p1 $0x60  }
0x6d: {  	[tilespmem:s18], [sflag:$0x6] =	stream.indirect.gather @!p1 [hbm4b:s5+s14], $0x80, s17, s14, $0xb8;
	[tilespmem:$0x1FB00] =	vst v63  }
0x6e: {  	_ =	swait.ge [sflag:s7], $0x3000  }
0x6f: {  	[sflag:s7] =	ssyncset.done $0x0  }
0x70: {  	[sflag:s7] =	ssyncadd.s32 $0xFFFFD000  }
0x71: {  	[spmem:s2] =	stream.indirect.scatter.add.f32 [tilespmem:s28], [sflag:$0x7], $0x80, s26, s31, $0xb8;
	[tilespmem:$0x1FB00] =	vst v63  }
0x72: {  	_ =	swait.ge [sflag:s22], $0x3000  }
0x73: {  	[sflag:s22] =	ssyncset.done $0x0  }
0x74: {  	[sflag:s22] =	ssyncadd.s32 $0xFFFFD000  }
0x75: {  	v1 =	vld [tilespmem:$0x180];
	_ =	sdelay $0x7  }
0x76: {  	[tilespmem:v1+s23+$0x0] =	vst.idx.add.f32.msk $0xffff, v0  }
0x77: {  	v1 =	vld [tilespmem:$0x190];
	_ =	sdelay $0x7  }
0x78: {  	[tilespmem:v1+s23+$0x0] =	vst.idx.add.f32.msk $0xffff, v0  }
0x79: {  	v1 =	vld [tilespmem:$0x1A0];
	_ =	sdelay $0x7  }
0x7a: {  	[tilespmem:v1+s23+$0x0] =	vst.idx.add.f32.msk $0xffff, v0  }
0x7b: {  	v1 =	vld [tilespmem:$0x1B0];
	_ =	sdelay $0x7  }
0x7c: {  	[tilespmem:v1+s23+$0x0] =	vst.idx.add.f32.msk $0xffff, v0  }
0x7d: {  	v1 =	vld [tilespmem:$0x1C0];
	_ =	sdelay $0x7  }
0x7e: {  	[tilespmem:v1+s23+$0x0] =	vst.idx.add.f32.msk $0xffff, v0  }
0x7f: {  	v1 =	vld [tilespmem:$0x1D0];
	_ =	sdelay $0x2  }
0x80: {  	s13 =	sadd.s32 $0x4, s15  }
0x81: {  	p1 =	sge.u32 s13, s8  }
0x82: {  	s14 =	sadd.s32 @!p1 $0xFFFFFF80, s21  }
0x83: {  	s14 =	sand.u32 @!p1 $0x7FFFFF80, s14  }
0x84: {  	s17 =	sadd.s32 @!p1 $0xFFFFFFF0, s20;
	s14 =	sadd.s32 @!p1 $0x69000, s14  }
0x85: {  	s18 =	simm.s32 @!p1 $0x0;
	s13 =	simm.s32 @!p1 $0x100;
	s14 =	sshrl.u32 @!p1 s14, $0x3;
	[tilespmem:v1+s23+$0x0] =	vst.idx.add.f32.msk $0xffff, v0  }
0x86: {  	[tilespmem:s13], [sflag:$0x2] =	stream.linear.gather @!p1 [hbm4b:s17+s18], $0x80, $0x38;
	[tilespmem:$0x1FB00] =	vst v63  }
0x87: {  	s14 =	sadd.s32 @!p1 s1, s14;
	s17 =	simm.s32 @!p1 $0x180  }
0x88: {  	[tilespmem:s17], [sflag:$0x2] =	stream.linear.gather @!p1 [hbm4b:s14+s18], $0x80, $0x38;
	[tilespmem:$0x1FB00] =	vst v63  }
0x89: {  	s14 =	simm.s32 @!p0 $0x1  }
0x8a: {  	_ =	swait.ge @!p0 [sflag:s14], $0x80  }
0x8b: {  	[sflag:s14] =	ssyncset.done @!p0 $0x0  }
0x8c: {  	[sflag:s14] =	ssyncadd.s32 @!p0 $0xFFFFFF80  }
0x8d: {  	_ =	swait.ge @!p0 [sflag:s14], $0x80  }
0x8e: {  	[sflag:s14] =	ssyncset.done @!p0 $0x0  }
0x8f: {  	s17 =	simm.s32 @!p0 $0x300;
	[sflag:s14] =	ssyncadd.s32 @!p0 $0xFFFFFF80;
	s14 =	simm.s32 @!p0 $0x60  }
0x90: {  	[tilespmem:s17], [sflag:$0x4] =	stream.indirect.gather @!p0 [hbm4b:s5+s14], $0x80, s19, s14, $0xb8;
	[tilespmem:$0x1FB00] =	vst v63  }
0x91: {  	_ =	swait.ge [sflag:s9], $0x3000  }
0x92: {  	[sflag:s9] =	ssyncset.done $0x0  }
0x93: {  	s17 =	rddreg [dreg:$0x6];
	[sflag:s9] =	ssyncadd.s32 $0xFFFFD000  }
0x94: {  	[spmem:s2] =	stream.indirect.scatter.add.f32 [tilespmem:s17], [sflag:$0x7], $0x80, s29, s31, $0xb8;
	[tilespmem:$0x1FB00] =	vst v63  }
0x95: {  	_ =	swait.ge [sflag:s22], $0x3000  }
0x96: {  	[sflag:s22] =	ssyncset.done $0x0  }
0x97: {  	[sflag:s22] =	ssyncadd.s32 $0xFFFFD000  }
0x98: {  	v1 =	vld [tilespmem:$0x280];
	_ =	sdelay $0x7  }
0x99: {  	[tilespmem:v1+s23+$0x0] =	vst.idx.add.f32.msk $0xffff, v0  }
0x9a: {  	v1 =	vld [tilespmem:$0x290];
	_ =	sdelay $0x7  }
0x9b: {  	[tilespmem:v1+s23+$0x0] =	vst.idx.add.f32.msk $0xffff, v0  }
0x9c: {  	v1 =	vld [tilespmem:$0x2A0];
	_ =	sdelay $0x7  }
0x9d: {  	[tilespmem:v1+s23+$0x0] =	vst.idx.add.f32.msk $0xffff, v0  }
0x9e: {  	v1 =	vld [tilespmem:$0x2B0];
	_ =	sdelay $0x7  }
0x9f: {  	[tilespmem:v1+s23+$0x0] =	vst.idx.add.f32.msk $0xffff, v0  }
0xa0: {  	v1 =	vld [tilespmem:$0x2C0];
	_ =	sdelay $0x7  }
0xa1: {  	[tilespmem:v1+s23+$0x0] =	vst.idx.add.f32.msk $0xffff, v0  }
0xa2: {  	v1 =	vld [tilespmem:$0x2D0];
	_ =	sdelay $0x5  }
0xa3: {  	s18 =	sadd.s32 $0x5, s15  }
0xa4: {  	p0 =	sge.u32 s18, s8  }
0xa5: {  	s14 =	simm.s32 @!p0 $0x0;
	s15 =	simm.s32 @!p0 $0x200;
	[tilespmem:v1+s23+$0x0] =	vst.idx.add.f32.msk $0xffff, v0  }
0xa6: {  	[tilespmem:s15], [sflag:$0x3] =	stream.linear.gather @!p0 [hbm4b:s20+s14], $0x80, $0x38;
	[tilespmem:$0x1FB00] =	vst v63  }
0xa7: {  	s15 =	sand.u32 @!p0 $0x7FFFFF80, s21  }
0xa8: {  	s15 =	sadd.s32 @!p0 $0x69000, s15  }
0xa9: {  	s15 =	sshrl.u32 @!p0 s15, $0x3  }
0xaa: {  	s17 =	simm.s32 @!p0 $0x280;
	s15 =	sadd.s32 @!p0 s1, s15  }
0xab: {  	[tilespmem:s17], [sflag:$0x3] =	stream.linear.gather @!p0 [hbm4b:s15+s14], $0x80, $0x38;
	[tilespmem:$0x1FB00] =	vst v63  }
0xac: {  	s14 =	simm.s32 @!p1 $0x2  }
0xad: {  	_ =	swait.ge @!p1 [sflag:s14], $0x80  }
0xae: {  	[sflag:s14] =	ssyncset.done @!p1 $0x0  }
0xaf: {  	[sflag:s14] =	ssyncadd.s32 @!p1 $0xFFFFFF80  }
0xb0: {  	_ =	swait.ge @!p1 [sflag:s14], $0x80  }
0xb1: {  	s19 =	rddreg [dreg:$0x5]  }
0xb2: {  	p0 =	sne.s32 s19, s16  }
.Ltmp0:
0xb3: {  	_ = 	snop;
	(pc) =	sbr.rel @p0 .LBB2_2-.Ltmp0, $4  }
0xb4: {  	s20 =	sadd.s32 $0x30, s20  }
0xb5: {  	s21 =	sadd.s32 $0x180, s21;
	s17 =	simm.s32 @!p1 $0x3300;
	[sflag:s14] =	ssyncset.done @!p1 $0x0  }
0xb6: {  	s15 =	smov.u32 s16;
	[sflag:s14] =	ssyncadd.s32 @!p1 $0xFFFFFF80;
	s14 =	simm.s32 @!p1 $0x60  }
0xb7: {  	[tilespmem:s17], [sflag:$0x5] =	stream.indirect.gather @!p1 [hbm4b:s5+s14], $0x80, s13, s14, $0xb8;
	[tilespmem:$0x1FB00] =	vst v63  }
0xb8: {  	[bflag:$0x0] =	sbarrier.arrive $0xFFFF  }
0xb9: {  	s13 =	rddreg [dreg:$0x10]  }
0xba: {  	[hbm:s13], [sflag:s10] =	dma.local [spmem:s11], $0x2800  }
0xbb: {  	_ =	swait.ge [sflag:s22], $0x2800  }
0xbc: {  	[sflag:s22] =	ssyncset.done $0x0  }
0xbd: {  	s20 =	simm.s32 $0x400;
	s19 =	rddreg [dreg:$0x11];
	[sflag:s22] =	ssyncadd.s32 $0xFFFFD800  }
0xbe: {  	[hbm4b:s19+s24] =	stream.strided.scatter [tilespmem:s23], [sflag:$0x7], $0x2800, s20, s24, $0x38;
	[tilespmem:$0x1FB00] =	vst v63  }
0xbf: {  	_ =	swait.ge [sflag:s22], $0x2800  }
0xc0: {  	s12 =	sadd.s32 $0x1, s12;
	s21 =	rddreg [dreg:$0x12]  }
0xc1: {  	p0 =	sne.s32 s12, s21  }
.Ltmp1:
0xc2: {  	_ = 	snop;
	(pc) =	sbr.rel @p0 .LBB2_1-.Ltmp1, $3  }
0xc3: {  	_ =	sdelay $0x1  }
0xc4: {  	[sflag:s22] =	ssyncset.done $0x0  }
0xc5: {  	[sflag:s22] =	ssyncadd.s32 $0xFFFFD800  }
0xc6: {  	_ =	sfence.sel $0x180000  }
0xc7: {  	[bflag:$0x0] =	sbarrier.arrive $0xFFFF  }
0xc8: {  	_ =	strace $0x90000047  }
0xc9: {  	s0 =	stileid.u32;
	[bflag:$0x2] =	sbarrier.arrive $0xFFFF  }
0xca: {  	p0 =	sne.s32 s0, $0x0;
	s0 =	rddreg [dreg:$0x3]  }
0xcb: {  	s0 =	sadd.s32 @!p0 $0x100000, s0  }
0xcc: {  	[sflag:s0] =	ssyncadd.tile.s32 @!p0 $0x1;
	_ =	shalt  }
.Lfunc_end2:
_tile_overlayer_lowered:
.L_overlay_start_2:
0xcd: {  	(tag) =	ssettag $0x2  }
0xce: {  	s0 =	rddreg [dreg:$0x0];
	s2 =	stileid.u32  }
0xcf: {  	s1 =	rddreg [dreg:$0x1];
	p0 =	sne.s32 s2, $0x0  }
0xd0: {  	s3 =	rddreg [dreg:$0x2];
	[bflag:$0x3] =	sbarrier.arrive $0xFFFF;
	s2 =	simm.s32 @!p0 $0x1C07  }
0xd1: {  	[timem:s3], [sflag:s2] =	dma.local @!p0 [hbm:s0], s1  }
0xd2: {  	s0 =	simm.s32 @!p0 $0x7  }
0xd3: {  	_ =	swait.ge @!p0 [sflag:s0], s1  }
0xd4: {  	s1 =	ssub.s32 @!p0 $0x0, s1;
	[sflag:s0] =	ssyncset.done @!p0 $0x0  }
0xd5: {  	[sflag:s0] =	ssyncadd.s32 @!p0 s1  }
0xd6: {  	[bflag:$0x3] =	sbarrier.arrive $0xFFFF  }
0xd7: {  	_ =	shalt  }

</sc_bundles>
